<compile_context>
chip_gen: v7x
topology: tpu7x:2x2x1
jax: 0.10.2.dev20260603
libtpu: 0.0.44.dev20260713+nightly
codegen_flags: <defaults>
</compile_context>

<pallas_src>
import functools

import jax
import jax.numpy as jnp
from jax import lax
from jax.experimental import pallas as pl
from jax.experimental.pallas import tpu as pltpu
from jax.experimental.pallas import tpu_sc as plsc

N_NODES = 100000
N_EDGES = 6400000
BATCH = 128
K = 8
CHUNK = BATCH * K
N_ROWS = N_EDGES // BATCH
N_CHUNKS = N_EDGES // CHUNK
NW = 32
CHUNKS_BASE = N_CHUNKS // NW
CHUNKS_REM = N_CHUNKS % NW
DEPTH = 4
CHUNKS_MAX = 196
GROUPS = CHUNKS_MAX // DEPTH
N_PAD = 100352
SLICE = N_PAD // 16
SUB = SLICE // 4


def _sc_body(t_hbm, ei_hbm, el_hbm, w_hbm, b_hbm, out_hbm,
             table, wv, bv, sd_in, el_in, dst_sc, msg,
             init_b, acc, in_sems, sc_sems):
    c = lax.axis_index("c")
    s = lax.axis_index("s")
    pltpu.sync_copy(t_hbm, table)
    pltpu.sync_copy(w_hbm, wv)
    pltpu.sync_copy(b_hbm, bv)

    cf = jnp.where(c == 0, jnp.float32(1.0), jnp.float32(0.0))
    node0 = s * SLICE

    @pl.loop(0, 4)
    def _init_outer(k):
        @pl.loop(0, SUB // 16)
        def _init_inner(i):
            tw = table[pl.ds(node0 + k * SUB + i * 16, 16)]
            nl = jnp.bitwise_and(tw, 15)
            bg = plsc.load_gather(bv, [nl])
            init_b[pl.ds(i * 16, 16)] = bg * cf
        pltpu.sync_copy(init_b, acc.at[pl.ds(node0 + k * SUB, SUB)])

    plsc.subcore_barrier()

    wid = c * 16 + s
    base = wid * CHUNKS_BASE + jnp.minimum(wid, CHUNKS_REM)
    n_chunks = CHUNKS_BASE + jnp.where(wid < CHUNKS_REM, 1, 0)

    def crow(i):
        return (base + jnp.minimum(i, n_chunks - 1)) * K

    def fire_inputs(i, a):
        r0 = crow(i)
        pltpu.async_copy(ei_hbm.at[pl.ds(r0, K)], sd_in[a], in_sems[a])
        pltpu.async_copy(el_hbm.at[pl.ds(r0 * BATCH, CHUNK)], el_in[a], in_sems[a])

    def wait_inputs(i, a):
        r0 = crow(i)
        pltpu.make_async_copy(ei_hbm.at[pl.ds(r0, K)], sd_in[a], in_sems[a]).wait()
        pltpu.make_async_copy(el_hbm.at[pl.ds(r0 * BATCH, CHUNK)], el_in[a], in_sems[a]).wait()

    def wait_scatters(b):
        for j in range(K):
            pltpu.make_async_copy(
                msg[b].at[j], acc.at[dst_sc[b].at[j]], sc_sems[b]).wait()

    for b in range(DEPTH):
        fire_inputs(b, b)

    @pl.loop(0, GROUPS)
    def _group(g):
        for b in range(DEPTH):
            i = g * DEPTH + b
            a = b
            wait_inputs(i, a)

            @pl.when(g > 0)
            def _():
                if False:
                    wait_scatters(b)

            zf = jnp.where(i < n_chunks, jnp.float32(1.0), jnp.float32(0.0))

            @plsc.parallel_loop(0, CHUNK // 16, unroll=8)
            def _blk(t):
                j = lax.shift_right_logical(t, 3)
                kk = jnp.bitwise_and(t, 7)
                sl = pl.ds(kk * 16, 16)
                s16 = sd_in[a][j, 0, sl]
                d16 = sd_in[a][j, 1, sl]
                e16 = el_in[a][pl.ds(t * 16, 16)]
                gs = plsc.load_gather(table, [s16])
                gd = plsc.load_gather(table, [d16])
                nls = jnp.bitwise_and(gs, 15)
                nld = jnp.bitwise_and(gd, 15)
                xs = plsc.bitcast(jnp.bitwise_and(gs, -16), jnp.float32)
                widx = jnp.bitwise_or(
                    jnp.bitwise_or(lax.shift_left(nld, 6),
                                   lax.shift_left(nls, 2)),
                    e16)
                w16 = plsc.load_gather(wv, [widx])
                dst_sc[b][j, sl] = d16
                msg[b][j, sl] = w16 * xs * zf
            if False:
                for j in range(K):
                    pltpu.async_copy(
                        msg[b].at[j], acc.at[dst_sc[b].at[j]], sc_sems[b], add=True)

            @pl.when(i + DEPTH < CHUNKS_MAX)
            def _():
                fire_inputs(i + DEPTH, a)

    if False:
        for b in range(DEPTH):
            wait_scatters(b)

    plsc.subcore_barrier()
    pltpu.sync_copy(acc.at[pl.ds(node0, SLICE)],
                    out_hbm.at[c, pl.ds(node0, SLICE)])


_sc_kernel = functools.partial(
    pl.kernel,
    out_type=jax.ShapeDtypeStruct((2, N_PAD), jnp.float32),
    mesh=plsc.VectorSubcoreMesh(core_axis_name="c", subcore_axis_name="s"),
    compiler_params=pltpu.CompilerParams(needs_layout_passes=False),
    scratch_types=[
        pltpu.VMEM((N_PAD,), jnp.int32),
        pltpu.VMEM((1024,), jnp.float32),
        pltpu.VMEM((128,), jnp.float32),
        [pltpu.VMEM((K, 2, BATCH), jnp.int32) for _ in range(DEPTH)],
        [pltpu.VMEM((CHUNK,), jnp.int32) for _ in range(DEPTH)],
        [pltpu.VMEM((K, BATCH), jnp.int32) for _ in range(DEPTH)],
        [pltpu.VMEM((K, BATCH), jnp.float32) for _ in range(DEPTH)],
        pltpu.VMEM((SUB,), jnp.float32),
        pltpu.VMEM_SHARED((N_PAD,), jnp.float32),
        [pltpu.SemaphoreType.DMA for _ in range(DEPTH)],
        [pltpu.SemaphoreType.DMA for _ in range(DEPTH)],
    ],
)(_sc_body)


def _combine_body(p_ref, o_ref):
    o_ref[...] = p_ref[0] + p_ref[1]


def _combine(p):
    p3 = p.reshape(2, N_PAD // 128, 128)
    return pl.pallas_call(
        _combine_body,
        out_shape=jax.ShapeDtypeStruct((N_PAD // 128, 128), jnp.float32),
    )(p3)


def kernel(x, edge_index, node_labels, edge_labels, Param_W, Param_b):
    xb = lax.bitcast_convert_type(x[:, 0], jnp.int32)
    nl = node_labels.astype(jnp.int32)
    t = jnp.bitwise_or(jnp.bitwise_and(xb, -16), nl)
    t = jnp.concatenate([t, jnp.zeros((N_PAD - N_NODES,), jnp.int32)])
    ei = edge_index.astype(jnp.int32).reshape(2, N_ROWS, BATCH).transpose(1, 0, 2)
    el = edge_labels.astype(jnp.int32)
    b_pad = jnp.concatenate([Param_b, jnp.zeros((112,), jnp.float32)])
    partials = _sc_kernel(t, ei, el, Param_W, b_pad)
    out = _combine(partials)
    return out.reshape(-1)[:N_NODES].reshape(N_NODES, 1)

# --- scband reference (transcript-rebuilt; emitter-appended) ---
"""Pipeline reference for scband-graph-conv-layer-35691178230263 (READ-ONLY COPY).

The authoritative reference and input builder live on the scoring server;
editing this copy changes nothing except your own understanding.
"""

import jax, jax.numpy as jnp
import numpy as np

N_NODES = 100000
N_EDGES = 6400000
IN_FEATURES = 1
N_KERNELS = 1
N_NODE_LABELS = 16
N_EDGE_LABELS = 4
WEIGHT_NUM = IN_FEATURES * IN_FEATURES * N_KERNELS * N_NODE_LABELS * N_NODE_LABELS * N_EDGE_LABELS
BIAS_NUM = IN_FEATURES * N_KERNELS * N_NODE_LABELS


def setup_inputs(seed: int = 0) -> dict:
    key = jax.random.key(seed)
    k1, k2, k3, k4, k5, k6 = jax.random.split(key, 6)
    x = jax.random.normal(k1, (N_NODES, IN_FEATURES), dtype=jnp.float32)
    edge_index = jax.random.randint(k2, (2, N_EDGES), 0, N_NODES, dtype=jnp.int64)
    node_labels = jax.random.randint(k3, (N_NODES,), 0, N_NODE_LABELS, dtype=jnp.int64)
    edge_labels = jax.random.randint(k4, (N_EDGES,), 0, N_EDGE_LABELS, dtype=jnp.int64)
    # Parameters mirror Param_W / Param_b init in the torch module:
    # lower + randn * (upper - lower) with lower/upper = -/+ 1/sqrt(weight_num)
    lower = -1.0 / np.sqrt(WEIGHT_NUM)
    upper = 1.0 / np.sqrt(WEIGHT_NUM)
    Param_W = lower + jax.random.normal(k5, (WEIGHT_NUM,), dtype=jnp.float32) * (upper - lower)
    Param_b = lower + jax.random.normal(k6, (BIAS_NUM,), dtype=jnp.float32) * (upper - lower)
    return {"x": x, "edge_index": edge_index, "node_labels": node_labels,
            "edge_labels": edge_labels, "Param_W": Param_W, "Param_b": Param_b}


def reference(x, edge_index, node_labels, edge_labels, Param_W, Param_b):
    # RuleGNN GraphConvLayer (in_features=1, n_kernels=1, n_extra_dim=1):
    # the per-graph dense weight matrix W[dst, src] is materialized from the
    # shared parameter vector Param_W via the weight_distribution rule
    # idx = weight_map[0,0,0, label(dst), label(src), edge_label, 0].
    # Forward computes y = W @ x + b, which in sparse (edge) form is a
    # gather of shared weights per edge + scatter-add over destination nodes.
    src = edge_index[0]
    dst = edge_index[1]
    # flatten weight_map index arithmetic (row-major over labels/edge labels)
    widx = (node_labels[dst] * N_NODE_LABELS + node_labels[src]) * N_EDGE_LABELS + edge_labels
    w = jnp.take(Param_W, widx)                      # gather: [E]
    msg = w[:, None] * jnp.take(x, src, axis=0)      # gather + mul: [E, 1]
    out = jnp.zeros_like(x).at[dst].add(msg)         # scatter-add over dst
    # bias_map[0, 0, label(n)] -> Param_b gathered per node label
    out = out + jnp.take(Param_b, node_labels)[:, None]
    return out


if False:  # reference __main__ guard neutralized (emitter)
    inp = setup_inputs()
    y = reference(**inp)
    print(y.shape, y.dtype)

if __name__ == "__main__":
    import jax
    _d = setup_inputs()
    print(jax.jit(kernel)(*tuple(_d.values())))

</pallas_src>

<mosaic_0001>
#map = affine_map<(d0, d1) -> (0)>
#map1 = affine_map<(d0, d1) -> (0, 0, 0)>
#map2 = affine_map<(d0, d1) -> (0, 0)>
module attributes {stable_mosaic.version = 14 : i64} {
  func.func @_sc_body(%arg0: i32, %arg1: i32, %arg2: memref<100352xi32, #tpu.memory_space<hbm>>, %arg3: memref<50000x2x128xi32, #tpu.memory_space<hbm>>, %arg4: memref<6400000xi32, #tpu.memory_space<hbm>>, %arg5: memref<1024xf32, #tpu.memory_space<hbm>>, %arg6: memref<128xf32, #tpu.memory_space<hbm>>, %arg7: memref<2x100352xf32, #tpu.memory_space<hbm>>, %arg8: memref<100352xi32, #tpu.memory_space<vmem>>, %arg9: memref<1024xf32, #tpu.memory_space<vmem>>, %arg10: memref<128xf32, #tpu.memory_space<vmem>>, %arg11: memref<8x2x128xi32, #tpu.memory_space<vmem>>, %arg12: memref<8x2x128xi32, #tpu.memory_space<vmem>>, %arg13: memref<8x2x128xi32, #tpu.memory_space<vmem>>, %arg14: memref<8x2x128xi32, #tpu.memory_space<vmem>>, %arg15: memref<1024xi32, #tpu.memory_space<vmem>>, %arg16: memref<1024xi32, #tpu.memory_space<vmem>>, %arg17: memref<1024xi32, #tpu.memory_space<vmem>>, %arg18: memref<1024xi32, #tpu.memory_space<vmem>>, %arg19: memref<8x128xi32, #tpu.memory_space<vmem>>, %arg20: memref<8x128xi32, #tpu.memory_space<vmem>>, %arg21: memref<8x128xi32, #tpu.memory_space<vmem>>, %arg22: memref<8x128xi32, #tpu.memory_space<vmem>>, %arg23: memref<8x128xf32, #tpu.memory_space<vmem>>, %arg24: memref<8x128xf32, #tpu.memory_space<vmem>>, %arg25: memref<8x128xf32, #tpu.memory_space<vmem>>, %arg26: memref<8x128xf32, #tpu.memory_space<vmem>>, %arg27: memref<1568xf32, #tpu.memory_space<vmem>>, %arg28: memref<100352xf32, #tpu.memory_space<vmem_shared>>, %arg29: memref<!tpu.dma_semaphore, #tpu.memory_space<semaphore_mem>>, %arg30: memref<!tpu.dma_semaphore, #tpu.memory_space<semaphore_mem>>, %arg31: memref<!tpu.dma_semaphore, #tpu.memory_space<semaphore_mem>>, %arg32: memref<!tpu.dma_semaphore, #tpu.memory_space<semaphore_mem>>, %arg33: memref<!tpu.dma_semaphore, #tpu.memory_space<semaphore_mem>>, %arg34: memref<!tpu.dma_semaphore, #tpu.memory_space<semaphore_mem>>, %arg35: memref<!tpu.dma_semaphore, #tpu.memory_space<semaphore_mem>>, %arg36: memref<!tpu.dma_semaphore, #tpu.memory_space<semaphore_mem>>) attributes {dimension_semantics = [#tpu.dimension_semantics<core_parallel>, #tpu.dimension_semantics<subcore_parallel>], iteration_bounds = array<i64: 2, 16>, scalar_prefetch = 0 : i64, scratch_operands = 29 : i64, tpu.core_type = #tpu.core_type<sc_vector_subcore>, window_params = [{transform_indices = #map}, {transform_indices = #map1}, {transform_indices = #map}, {transform_indices = #map}, {transform_indices = #map}, {transform_indices = #map2}]} {
    "tpu.region"() ({
      %run_scoped3A = tpu.sem_alloc : memref<!tpu.dma_semaphore, #tpu.memory_space<semaphore_mem>>
      tpu.enqueue_dma source(%arg2 : memref<100352xi32, #tpu.memory_space<hbm>>) target(%arg8 : memref<100352xi32, #tpu.memory_space<vmem>>) target_semaphore(%run_scoped3A : memref<!tpu.dma_semaphore, #tpu.memory_space<semaphore_mem>>)
      tpu.wait_dma2 semaphore(%run_scoped3A : memref<!tpu.dma_semaphore, #tpu.memory_space<semaphore_mem>>) src(%arg2 : memref<100352xi32, #tpu.memory_space<hbm>>) dst(%arg8 : memref<100352xi32, #tpu.memory_space<vmem>>)
      tpu.yield
    }) : () -> ()
    "tpu.region"() ({
      %run_scoped3A = tpu.sem_alloc : memref<!tpu.dma_semaphore, #tpu.memory_space<semaphore_mem>>
      tpu.enqueue_dma source(%arg5 : memref<1024xf32, #tpu.memory_space<hbm>>) target(%arg9 : memref<1024xf32, #tpu.memory_space<vmem>>) target_semaphore(%run_scoped3A : memref<!tpu.dma_semaphore, #tpu.memory_space<semaphore_mem>>)
      tpu.wait_dma2 semaphore(%run_scoped3A : memref<!tpu.dma_semaphore, #tpu.memory_space<semaphore_mem>>) src(%arg5 : memref<1024xf32, #tpu.memory_space<hbm>>) dst(%arg9 : memref<1024xf32, #tpu.memory_space<vmem>>)
      tpu.yield
    }) : () -> ()
    "tpu.region"() ({
      %run_scoped3A = tpu.sem_alloc : memref<!tpu.dma_semaphore, #tpu.memory_space<semaphore_mem>>
      tpu.enqueue_dma source(%arg6 : memref<128xf32, #tpu.memory_space<hbm>>) target(%arg10 : memref<128xf32, #tpu.memory_space<vmem>>) target_semaphore(%run_scoped3A : memref<!tpu.dma_semaphore, #tpu.memory_space<semaphore_mem>>)
      tpu.wait_dma2 semaphore(%run_scoped3A : memref<!tpu.dma_semaphore, #tpu.memory_space<semaphore_mem>>) src(%arg6 : memref<128xf32, #tpu.memory_space<hbm>>) dst(%arg10 : memref<128xf32, #tpu.memory_space<vmem>>)
      tpu.yield
    }) : () -> ()
    %eq3A = arith.constant 0 : i32
    %eq3A_0 = arith.cmpi eq, %arg0, %eq3A : i32
    %jit3A = arith.constant 1.000000e+00 : f32
    %jit3A_1 = arith.constant 0.000000e+00 : f32
    %select_n3A = arith.select %eq3A_0, %jit3A, %jit3A_1 : f32
    %mul3A = arith.constant 6272 : i32
    %mul3A_2 = arith.muli %arg1, %mul3A : i32
    %scan3A = arith.constant 0 : i32
    %scan3A_3 = arith.constant 4 : i32
    %scan3A_4 = arith.addi %scan3A, %scan3A_3 : i32
    %scan3A_5 = arith.constant 1 : i32
    scf.for %scan3A_91 = %scan3A to %scan3A_4 step %scan3A_5  : i32 {
      %mul3A_92 = arith.constant 1 : i32
      %mul3A_93 = arith.muli %scan3A_91, %mul3A_92 : i32
      %add3A_94 = arith.constant 0 : i32
      %add3A_95 = arith.addi %add3A_94, %mul3A_93 : i32
      %scan3A_96 = arith.constant 0 : i32
      %scan3A_97 = arith.constant 98 : i32
      %scan3A_98 = arith.addi %scan3A_96, %scan3A_97 : i32
      %scan3A_99 = arith.constant 1 : i32
      scf.for %scan3A_104 = %scan3A_96 to %scan3A_98 step %scan3A_99  : i32 {
        %mul3A_105 = arith.constant 1 : i32
        %mul3A_106 = arith.muli %scan3A_104, %mul3A_105 : i32
        %add3A_107 = arith.constant 0 : i32
        %add3A_108 = arith.addi %add3A_107, %mul3A_106 : i32
        %mul3A_109 = arith.constant 1568 : i32
        %mul3A_110 = arith.muli %add3A_95, %mul3A_109 : i32
        %add3A_111 = arith.addi %mul3A_2, %mul3A_110 : i32
        %mul3A_112 = arith.constant 16 : i32
        %mul3A_113 = arith.muli %add3A_108, %mul3A_112 : i32
        %add3A_114 = arith.addi %add3A_111, %mul3A_113 : i32
        %get3A = arith.index_cast %add3A_114 : i32 to index
        %get3A_115 = tpu.vector_load %arg8[%get3A] {strides = array<i32>} : memref<100352xi32, #tpu.memory_space<vmem>>, vector<16xi32>,
        %and3A = arith.constant 15 : i32
        %and3A_116 = vector.broadcast %and3A : i32 to vector<16xi32>
        %and3A_117 = arith.andi %get3A_115, %and3A_116 : vector<16xi32>
        %gather3A = tpu.vector_load_idx %arg10[%and3A_117] : memref<128xf32, #tpu.memory_space<vmem>>[vector<16xi32>], vector<16xf32>,
        %mul3A_118 = vector.broadcast %select_n3A : f32 to vector<16xf32>
        %mul3A_119 = arith.mulf %gather3A, %mul3A_118 : vector<16xf32>
        %mul3A_120 = arith.constant 16 : i32
        %mul3A_121 = arith.muli %add3A_108, %mul3A_120 : i32
        %swap3A = arith.index_cast %mul3A_121 : i32 to index
        %swap3A_122 = tpu.vector_load %arg27[%swap3A] {strides = array<i32>} : memref<1568xf32, #tpu.memory_space<vmem>>, vector<16xf32>,
        tpu.vector_store %arg27[%swap3A], %mul3A_119 {strides = array<i32>} : memref<1568xf32, #tpu.memory_space<vmem>>, vector<16xf32>,
      }
      %scan3A_100 = arith.constant 98 : i32
      %mul3A_101 = arith.constant 1568 : i32
      %mul3A_102 = arith.muli %add3A_95, %mul3A_101 : i32
      %add3A_103 = arith.addi %mul3A_2, %mul3A_102 : i32
      "tpu.region"() ({
        %run_scoped3A = tpu.sem_alloc : memref<!tpu.dma_semaphore, #tpu.memory_space<semaphore_mem>>
        %dma_start3A_104 = tpu.memref_slice %arg28[%add3A_103] : memref<100352xf32, #tpu.memory_space<vmem_shared>> -> memref<1568xf32, #tpu.memory_space<vmem_shared>>
        %dma_start3A_105 = tpu.memref_slice %arg28[%add3A_103] : memref<100352xf32, #tpu.memory_space<vmem_shared>> -> memref<1568xf32, #tpu.memory_space<vmem_shared>>
        tpu.enqueue_dma source(%arg27 : memref<1568xf32, #tpu.memory_space<vmem>>) target(%dma_start3A_105 : memref<1568xf32, #tpu.memory_space<vmem_shared>>) target_semaphore(%run_scoped3A : memref<!tpu.dma_semaphore, #tpu.memory_space<semaphore_mem>>)
        %dma_wait3A = tpu.memref_slice %arg28[%add3A_103] : memref<100352xf32, #tpu.memory_space<vmem_shared>> -> memref<1568xf32, #tpu.memory_space<vmem_shared>>
        %dma_wait3A_106 = tpu.memref_slice %arg28[%add3A_103] : memref<100352xf32, #tpu.memory_space<vmem_shared>> -> memref<1568xf32, #tpu.memory_space<vmem_shared>>
        tpu.wait_dma2 semaphore(%run_scoped3A : memref<!tpu.dma_semaphore, #tpu.memory_space<semaphore_mem>>) src(%arg27 : memref<1568xf32, #tpu.memory_space<vmem>>) dst(%dma_wait3A_106 : memref<1568xf32, #tpu.memory_space<vmem_shared>>)
        tpu.yield
      }) : () -> ()
    }
    %scan3A_6 = arith.constant 4 : i32
    %barrier3A = arith.constant 0 : index
    tpu.barrier barrier_id(%barrier3A)
    %mul3A_7 = arith.constant 16 : i32
    %mul3A_8 = arith.muli %arg0, %mul3A_7 : i32
    %add3A = arith.addi %mul3A_8, %arg1 : i32
    %mul3A_9 = arith.constant 195 : i32
    %mul3A_10 = arith.muli %add3A, %mul3A_9 : i32
    %min3A = arith.constant 10 : i32
    %min3A_11 = arith.minsi %add3A, %min3A : i32
    %add3A_12 = arith.addi %mul3A_10, %min3A_11 : i32
    %lt3A = arith.constant 10 : i32
    %lt3A_13 = arith.cmpi slt, %add3A, %lt3A : i32
    %jit3A_14 = arith.constant 1 : i32
    %jit3A_15 = arith.constant 0 : i32
    %select_n3A_16 = arith.select %lt3A_13, %jit3A_14, %jit3A_15 : i32
    %add3A_17 = arith.constant 195 : i32
    %add3A_18 = arith.addi %add3A_17, %select_n3A_16 : i32
    %sub3A = arith.constant 1 : i32
    %sub3A_19 = arith.subi %add3A_18, %sub3A : i32
    %min3A_20 = arith.constant 0 : i32
    %min3A_21 = arith.minsi %min3A_20, %sub3A_19 : i32
    %add3A_22 = arith.addi %add3A_12, %min3A_21 : i32
    %mul3A_23 = arith.constant 8 : i32
    %mul3A_24 = arith.muli %add3A_22, %mul3A_23 : i32
    %dma_start3A = arith.constant 0 : i32
    %dma_start3A_25 = arith.constant 0 : i32
    %dma_start3A_26 = tpu.memref_slice %arg3[%mul3A_24, %dma_start3A, %dma_start3A_25] : memref<50000x2x128xi32, #tpu.memory_space<hbm>> -> memref<8x2x128xi32, #tpu.memory_space<hbm>>
    %dma_start3A_27 = arith.constant 0 : i32
    %dma_start3A_28 = arith.constant 0 : i32
    %dma_start3A_29 = tpu.memref_slice %arg3[%mul3A_24, %dma_start3A_27, %dma_start3A_28] : memref<50000x2x128xi32, #tpu.memory_space<hbm>> -> memref<8x2x128xi32, #tpu.memory_space<hbm>>
    tpu.enqueue_dma source(%dma_start3A_29 : memref<8x2x128xi32, #tpu.memory_space<hbm>>) target(%arg11 : memref<8x2x128xi32, #tpu.memory_space<vmem>>) target_semaphore(%arg29 : memref<!tpu.dma_semaphore, #tpu.memory_space<semaphore_mem>>)
    %mul3A_30 = arith.constant 128 : i32
    %mul3A_31 = arith.muli %mul3A_24, %mul3A_30 : i32
    %dma_start3A_32 = tpu.memref_slice %arg4[%mul3A_31] : memref<6400000xi32, #tpu.memory_space<hbm>> -> memref<1024xi32, #tpu.memory_space<hbm>>
    %dma_start3A_33 = tpu.memref_slice %arg4[%mul3A_31] : memref<6400000xi32, #tpu.memory_space<hbm>> -> memref<1024xi32, #tpu.memory_space<hbm>>
    tpu.enqueue_dma source(%dma_start3A_33 : memref<1024xi32, #tpu.memory_space<hbm>>) target(%arg15 : memref<1024xi32, #tpu.memory_space<vmem>>) target_semaphore(%arg29 : memref<!tpu.dma_semaphore, #tpu.memory_space<semaphore_mem>>)
    %sub3A_34 = arith.constant 1 : i32
    %sub3A_35 = arith.subi %add3A_18, %sub3A_34 : i32
    %min3A_36 = arith.constant 1 : i32
    %min3A_37 = arith.minsi %min3A_36, %sub3A_35 : i32
    %add3A_38 = arith.addi %add3A_12, %min3A_37 : i32
    %mul3A_39 = arith.constant 8 : i32
    %mul3A_40 = arith.muli %add3A_38, %mul3A_39 : i32
    %dma_start3A_41 = arith.constant 0 : i32
    %dma_start3A_42 = arith.constant 0 : i32
    %dma_start3A_43 = tpu.memref_slice %arg3[%mul3A_40, %dma_start3A_41, %dma_start3A_42] : memref<50000x2x128xi32, #tpu.memory_space<hbm>> -> memref<8x2x128xi32, #tpu.memory_space<hbm>>
    %dma_start3A_44 = arith.constant 0 : i32
    %dma_start3A_45 = arith.constant 0 : i32
    %dma_start3A_46 = tpu.memref_slice %arg3[%mul3A_40, %dma_start3A_44, %dma_start3A_45] : memref<50000x2x128xi32, #tpu.memory_space<hbm>> -> memref<8x2x128xi32, #tpu.memory_space<hbm>>
    tpu.enqueue_dma source(%dma_start3A_46 : memref<8x2x128xi32, #tpu.memory_space<hbm>>) target(%arg12 : memref<8x2x128xi32, #tpu.memory_space<vmem>>) target_semaphore(%arg30 : memref<!tpu.dma_semaphore, #tpu.memory_space<semaphore_mem>>)
    %mul3A_47 = arith.constant 128 : i32
    %mul3A_48 = arith.muli %mul3A_40, %mul3A_47 : i32
    %dma_start3A_49 = tpu.memref_slice %arg4[%mul3A_48] : memref<6400000xi32, #tpu.memory_space<hbm>> -> memref<1024xi32, #tpu.memory_space<hbm>>
    %dma_start3A_50 = tpu.memref_slice %arg4[%mul3A_48] : memref<6400000xi32, #tpu.memory_space<hbm>> -> memref<1024xi32, #tpu.memory_space<hbm>>
    tpu.enqueue_dma source(%dma_start3A_50 : memref<1024xi32, #tpu.memory_space<hbm>>) target(%arg16 : memref<1024xi32, #tpu.memory_space<vmem>>) target_semaphore(%arg30 : memref<!tpu.dma_semaphore, #tpu.memory_space<semaphore_mem>>)
    %sub3A_51 = arith.constant 1 : i32
    %sub3A_52 = arith.subi %add3A_18, %sub3A_51 : i32
    %min3A_53 = arith.constant 2 : i32
    %min3A_54 = arith.minsi %min3A_53, %sub3A_52 : i32
    %add3A_55 = arith.addi %add3A_12, %min3A_54 : i32
    %mul3A_56 = arith.constant 8 : i32
    %mul3A_57 = arith.muli %add3A_55, %mul3A_56 : i32
    %dma_start3A_58 = arith.constant 0 : i32
    %dma_start3A_59 = arith.constant 0 : i32
    %dma_start3A_60 = tpu.memref_slice %arg3[%mul3A_57, %dma_start3A_58, %dma_start3A_59] : memref<50000x2x128xi32, #tpu.memory_space<hbm>> -> memref<8x2x128xi32, #tpu.memory_space<hbm>>
    %dma_start3A_61 = arith.constant 0 : i32
    %dma_start3A_62 = arith.constant 0 : i32
    %dma_start3A_63 = tpu.memref_slice %arg3[%mul3A_57, %dma_start3A_61, %dma_start3A_62] : memref<50000x2x128xi32, #tpu.memory_space<hbm>> -> memref<8x2x128xi32, #tpu.memory_space<hbm>>
    tpu.enqueue_dma source(%dma_start3A_63 : memref<8x2x128xi32, #tpu.memory_space<hbm>>) target(%arg13 : memref<8x2x128xi32, #tpu.memory_space<vmem>>) target_semaphore(%arg31 : memref<!tpu.dma_semaphore, #tpu.memory_space<semaphore_mem>>)
    %mul3A_64 = arith.constant 128 : i32
    %mul3A_65 = arith.muli %mul3A_57, %mul3A_64 : i32
    %dma_start3A_66 = tpu.memref_slice %arg4[%mul3A_65] : memref<6400000xi32, #tpu.memory_space<hbm>> -> memref<1024xi32, #tpu.memory_space<hbm>>
    %dma_start3A_67 = tpu.memref_slice %arg4[%mul3A_65] : memref<6400000xi32, #tpu.memory_space<hbm>> -> memref<1024xi32, #tpu.memory_space<hbm>>
    tpu.enqueue_dma source(%dma_start3A_67 : memref<1024xi32, #tpu.memory_space<hbm>>) target(%arg17 : memref<1024xi32, #tpu.memory_space<vmem>>) target_semaphore(%arg31 : memref<!tpu.dma_semaphore, #tpu.memory_space<semaphore_mem>>)
    %sub3A_68 = arith.constant 1 : i32
    %sub3A_69 = arith.subi %add3A_18, %sub3A_68 : i32
    %min3A_70 = arith.constant 3 : i32
    %min3A_71 = arith.minsi %min3A_70, %sub3A_69 : i32
    %add3A_72 = arith.addi %add3A_12, %min3A_71 : i32
    %mul3A_73 = arith.constant 8 : i32
    %mul3A_74 = arith.muli %add3A_72, %mul3A_73 : i32
    %dma_start3A_75 = arith.constant 0 : i32
    %dma_start3A_76 = arith.constant 0 : i32
    %dma_start3A_77 = tpu.memref_slice %arg3[%mul3A_74, %dma_start3A_75, %dma_start3A_76] : memref<50000x2x128xi32, #tpu.memory_space<hbm>> -> memref<8x2x128xi32, #tpu.memory_space<hbm>>
    %dma_start3A_78 = arith.constant 0 : i32
    %dma_start3A_79 = arith.constant 0 : i32
    %dma_start3A_80 = tpu.memref_slice %arg3[%mul3A_74, %dma_start3A_78, %dma_start3A_79] : memref<50000x2x128xi32, #tpu.memory_space<hbm>> -> memref<8x2x128xi32, #tpu.memory_space<hbm>>
    tpu.enqueue_dma source(%dma_start3A_80 : memref<8x2x128xi32, #tpu.memory_space<hbm>>) target(%arg14 : memref<8x2x128xi32, #tpu.memory_space<vmem>>) target_semaphore(%arg32 : memref<!tpu.dma_semaphore, #tpu.memory_space<semaphore_mem>>)
    %mul3A_81 = arith.constant 128 : i32
    %mul3A_82 = arith.muli %mul3A_74, %mul3A_81 : i32
    %dma_start3A_83 = tpu.memref_slice %arg4[%mul3A_82] : memref<6400000xi32, #tpu.memory_space<hbm>> -> memref<1024xi32, #tpu.memory_space<hbm>>
    %dma_start3A_84 = tpu.memref_slice %arg4[%mul3A_82] : memref<6400000xi32, #tpu.memory_space<hbm>> -> memref<1024xi32, #tpu.memory_space<hbm>>
    tpu.enqueue_dma source(%dma_start3A_84 : memref<1024xi32, #tpu.memory_space<hbm>>) target(%arg18 : memref<1024xi32, #tpu.memory_space<vmem>>) target_semaphore(%arg32 : memref<!tpu.dma_semaphore, #tpu.memory_space<semaphore_mem>>)
    %scan3A_85 = arith.constant 0 : i32
    %scan3A_86 = arith.constant 49 : i32
    %scan3A_87 = arith.addi %scan3A_85, %scan3A_86 : i32
    %scan3A_88 = arith.constant 1 : i32
    scf.for %scan3A_91 = %scan3A_85 to %scan3A_87 step %scan3A_88  : i32 {
      %mul3A_92 = arith.constant 1 : i32
      %mul3A_93 = arith.muli %scan3A_91, %mul3A_92 : i32
      %add3A_94 = arith.constant 0 : i32
      %add3A_95 = arith.addi %add3A_94, %mul3A_93 : i32
      %mul3A_96 = arith.constant 4 : i32
      %mul3A_97 = arith.muli %add3A_95, %mul3A_96 : i32
      %add3A_98 = arith.constant 0 : i32
      %add3A_99 = arith.addi %mul3A_97, %add3A_98 : i32
      %sub3A_100 = arith.constant 1 : i32
      %sub3A_101 = arith.subi %add3A_18, %sub3A_100 : i32
      %min3A_102 = arith.minsi %add3A_99, %sub3A_101 : i32
      %add3A_103 = arith.addi %add3A_12, %min3A_102 : i32
      %mul3A_104 = arith.constant 8 : i32
      %mul3A_105 = arith.muli %add3A_103, %mul3A_104 : i32
      %dma_wait3A = arith.constant 0 : i32
      %dma_wait3A_106 = arith.constant 0 : i32
      %dma_wait3A_107 = tpu.memref_slice %arg3[%mul3A_105, %dma_wait3A, %dma_wait3A_106] : memref<50000x2x128xi32, #tpu.memory_space<hbm>> -> memref<8x2x128xi32, #tpu.memory_space<hbm>>
      %dma_wait3A_108 = arith.constant 0 : i32
      %dma_wait3A_109 = arith.constant 0 : i32
      %dma_wait3A_110 = tpu.memref_slice %arg3[%mul3A_105, %dma_wait3A_108, %dma_wait3A_109] : memref<50000x2x128xi32, #tpu.memory_space<hbm>> -> memref<8x2x128xi32, #tpu.memory_space<hbm>>
      tpu.wait_dma2 semaphore(%arg29 : memref<!tpu.dma_semaphore, #tpu.memory_space<semaphore_mem>>) src(%dma_wait3A_110 : memref<8x2x128xi32, #tpu.memory_space<hbm>>) dst(%arg11 : memref<8x2x128xi32, #tpu.memory_space<vmem>>)
      %mul3A_111 = arith.constant 128 : i32
      %mul3A_112 = arith.muli %mul3A_105, %mul3A_111 : i32
      %dma_wait3A_113 = tpu.memref_slice %arg4[%mul3A_112] : memref<6400000xi32, #tpu.memory_space<hbm>> -> memref<1024xi32, #tpu.memory_space<hbm>>
      %dma_wait3A_114 = tpu.memref_slice %arg4[%mul3A_112] : memref<6400000xi32, #tpu.memory_space<hbm>> -> memref<1024xi32, #tpu.memory_space<hbm>>
      tpu.wait_dma2 semaphore(%arg29 : memref<!tpu.dma_semaphore, #tpu.memory_space<semaphore_mem>>) src(%dma_wait3A_114 : memref<1024xi32, #tpu.memory_space<hbm>>) dst(%arg15 : memref<1024xi32, #tpu.memory_space<vmem>>)
      %gt3A = arith.constant 0 : i32
      %gt3A_115 = arith.cmpi sgt, %add3A_95, %gt3A : i32
      %convert_element_type3A = arith.extui %gt3A_115 : i1 to i32
      %cond3A = arith.constant 0 : i32
      %cond3A_116 = arith.cmpi ne, %convert_element_type3A, %cond3A : i32
      scf.if %cond3A_116 {
      } else {
      }
      %lt3A_117 = arith.cmpi slt, %add3A_99, %add3A_18 : i32
      %jit3A_118 = arith.constant 1.000000e+00 : f32
      %jit3A_119 = arith.constant 0.000000e+00 : f32
      %select_n3A_120 = arith.select %lt3A_117, %jit3A_118, %jit3A_119 : f32
      %parallel_loop3A = arith.constant 0 : i32
      %parallel_loop3A_121 = arith.constant 64 : i32
      %parallel_loop3A_122 = arith.constant 1 : i32
      scf.for %parallel_loop3A_247 = %parallel_loop3A to %parallel_loop3A_121 step %parallel_loop3A_122  : i32 {
        %parallel_loop3A_248 = arith.constant 3 : i32
        %parallel_loop3A_249 = arith.shrui %parallel_loop3A_247, %parallel_loop3A_248 : i32
        %parallel_loop3A_250 = arith.constant 7 : i32
        %parallel_loop3A_251 = arith.andi %parallel_loop3A_247, %parallel_loop3A_250 : i32
        %parallel_loop3A_252 = arith.constant 16 : i32
        %parallel_loop3A_253 = arith.muli %parallel_loop3A_251, %parallel_loop3A_252 : i32
        %parallel_loop3A_254 = arith.constant 0 : i32
        %parallel_loop3A_255 = arith.index_cast %parallel_loop3A_249 : i32 to index
        %parallel_loop3A_256 = arith.index_cast %parallel_loop3A_254 : i32 to index
        %parallel_loop3A_257 = arith.index_cast %parallel_loop3A_253 : i32 to index
        %parallel_loop3A_258 = tpu.vector_load %arg11[%parallel_loop3A_255, %parallel_loop3A_256, %parallel_loop3A_257] {strides = array<i32>} : memref<8x2x128xi32, #tpu.memory_space<vmem>>, vector<16xi32>,
        %parallel_loop3A_259 = arith.constant 1 : i32
        %parallel_loop3A_260 = arith.index_cast %parallel_loop3A_249 : i32 to index
        %parallel_loop3A_261 = arith.index_cast %parallel_loop3A_259 : i32 to index
        %parallel_loop3A_262 = arith.index_cast %parallel_loop3A_253 : i32 to index
        %parallel_loop3A_263 = tpu.vector_load %arg11[%parallel_loop3A_260, %parallel_loop3A_261, %parallel_loop3A_262] {strides = array<i32>} : memref<8x2x128xi32, #tpu.memory_space<vmem>>, vector<16xi32>,
        %parallel_loop3A_264 = arith.constant 16 : i32
        %parallel_loop3A_265 = arith.muli %parallel_loop3A_247, %parallel_loop3A_264 : i32
        %parallel_loop3A_266 = arith.index_cast %parallel_loop3A_265 : i32 to index
        %parallel_loop3A_267 = tpu.vector_load %arg15[%parallel_loop3A_266] {strides = array<i32>} : memref<1024xi32, #tpu.memory_space<vmem>>, vector<16xi32>,
        %parallel_loop3A_268 = tpu.vector_load_idx %arg8[%parallel_loop3A_258] : memref<100352xi32, #tpu.memory_space<vmem>>[vector<16xi32>], vector<16xi32>,
        %parallel_loop3A_269 = tpu.vector_load_idx %arg8[%parallel_loop3A_263] : memref<100352xi32, #tpu.memory_space<vmem>>[vector<16xi32>], vector<16xi32>,
        %parallel_loop3A_270 = arith.constant 15 : i32
        %parallel_loop3A_271 = vector.broadcast %parallel_loop3A_270 : i32 to vector<16xi32>
        %parallel_loop3A_272 = arith.andi %parallel_loop3A_268, %parallel_loop3A_271 : vector<16xi32>
        %parallel_loop3A_273 = arith.constant 15 : i32
        %parallel_loop3A_274 = vector.broadcast %parallel_loop3A_273 : i32 to vector<16xi32>
        %parallel_loop3A_275 = arith.andi %parallel_loop3A_269, %parallel_loop3A_274 : vector<16xi32>
        %parallel_loop3A_276 = arith.constant -16 : i32
        %parallel_loop3A_277 = vector.broadcast %parallel_loop3A_276 : i32 to vector<16xi32>
        %parallel_loop3A_278 = arith.andi %parallel_loop3A_268, %parallel_loop3A_277 : vector<16xi32>
        %parallel_loop3A_279 = vector.bitcast %parallel_loop3A_278 : vector<16xi32> to vector<16xf32>
        %parallel_loop3A_280 = arith.constant 6 : i32
        %parallel_loop3A_281 = vector.broadcast %parallel_loop3A_280 : i32 to vector<16xi32>
        %parallel_loop3A_282 = arith.shli %parallel_loop3A_275, %parallel_loop3A_281 : vector<16xi32>
        %parallel_loop3A_283 = arith.constant 2 : i32
        %parallel_loop3A_284 = vector.broadcast %parallel_loop3A_283 : i32 to vector<16xi32>
        %parallel_loop3A_285 = arith.shli %parallel_loop3A_272, %parallel_loop3A_284 : vector<16xi32>
        %parallel_loop3A_286 = arith.ori %parallel_loop3A_282, %parallel_loop3A_285 : vector<16xi32>
        %parallel_loop3A_287 = arith.ori %parallel_loop3A_286, %parallel_loop3A_267 : vector<16xi32>
        %parallel_loop3A_288 = tpu.vector_load_idx %arg9[%parallel_loop3A_287] : memref<1024xf32, #tpu.memory_space<vmem>>[vector<16xi32>], vector<16xf32>,
        %parallel_loop3A_289 = arith.index_cast %parallel_loop3A_249 : i32 to index
        %parallel_loop3A_290 = arith.index_cast %parallel_loop3A_253 : i32 to index
        %parallel_loop3A_291 = tpu.vector_load %arg19[%parallel_loop3A_289, %parallel_loop3A_290] {strides = array<i32>} : memref<8x128xi32, #tpu.memory_space<vmem>>, vector<16xi32>,
        tpu.vector_store %arg19[%parallel_loop3A_289, %parallel_loop3A_290], %parallel_loop3A_263 {strides = array<i32>} : memref<8x128xi32, #tpu.memory_space<vmem>>, vector<16xi32>,
        %parallel_loop3A_292 = arith.mulf %parallel_loop3A_288, %parallel_loop3A_279 : vector<16xf32>
        %parallel_loop3A_293 = vector.broadcast %select_n3A_120 : f32 to vector<16xf32>
        %parallel_loop3A_294 = arith.mulf %parallel_loop3A_292, %parallel_loop3A_293 : vector<16xf32>
        %parallel_loop3A_295 = arith.index_cast %parallel_loop3A_249 : i32 to index
        %parallel_loop3A_296 = arith.index_cast %parallel_loop3A_253 : i32 to index
        %parallel_loop3A_297 = tpu.vector_load %arg23[%parallel_loop3A_295, %parallel_loop3A_296] {strides = array<i32>} : memref<8x128xf32, #tpu.memory_space<vmem>>, vector<16xf32>,
        tpu.vector_store %arg23[%parallel_loop3A_295, %parallel_loop3A_296], %parallel_loop3A_294 {strides = array<i32>} : memref<8x128xf32, #tpu.memory_space<vmem>>, vector<16xf32>,
      } {sc.loop_unroll_factor = 8 : i64, sc.parallel_access}
      %add3A_123 = arith.constant 4 : i32
      %add3A_124 = arith.addi %add3A_99, %add3A_123 : i32
      %lt3A_125 = arith.constant 196 : i32
      %lt3A_126 = arith.cmpi slt, %add3A_124, %lt3A_125 : i32
      %convert_element_type3A_127 = arith.extui %lt3A_126 : i1 to i32
      %cond3A_128 = arith.constant 0 : i32
      %cond3A_129 = arith.cmpi ne, %convert_element_type3A_127, %cond3A_128 : i32
      scf.if %cond3A_129 {
        %add3A_247 = arith.constant 4 : i32
        %add3A_248 = arith.addi %add3A_99, %add3A_247 : i32
        %sub3A_249 = arith.constant 1 : i32
        %sub3A_250 = arith.subi %add3A_18, %sub3A_249 : i32
        %min3A_251 = arith.minsi %add3A_248, %sub3A_250 : i32
        %add3A_252 = arith.addi %add3A_12, %min3A_251 : i32
        %mul3A_253 = arith.constant 8 : i32
        %mul3A_254 = arith.muli %add3A_252, %mul3A_253 : i32
        %dma_start3A_255 = arith.constant 0 : i32
        %dma_start3A_256 = arith.constant 0 : i32
        %dma_start3A_257 = tpu.memref_slice %arg3[%mul3A_254, %dma_start3A_255, %dma_start3A_256] : memref<50000x2x128xi32, #tpu.memory_space<hbm>> -> memref<8x2x128xi32, #tpu.memory_space<hbm>>
        %dma_start3A_258 = arith.constant 0 : i32
        %dma_start3A_259 = arith.constant 0 : i32
        %dma_start3A_260 = tpu.memref_slice %arg3[%mul3A_254, %dma_start3A_258, %dma_start3A_259] : memref<50000x2x128xi32, #tpu.memory_space<hbm>> -> memref<8x2x128xi32, #tpu.memory_space<hbm>>
        tpu.enqueue_dma source(%dma_start3A_260 : memref<8x2x128xi32, #tpu.memory_space<hbm>>) target(%arg11 : memref<8x2x128xi32, #tpu.memory_space<vmem>>) target_semaphore(%arg29 : memref<!tpu.dma_semaphore, #tpu.memory_space<semaphore_mem>>)
        %mul3A_261 = arith.constant 128 : i32
        %mul3A_262 = arith.muli %mul3A_254, %mul3A_261 : i32
        %dma_start3A_263 = tpu.memref_slice %arg4[%mul3A_262] : memref<6400000xi32, #tpu.memory_space<hbm>> -> memref<1024xi32, #tpu.memory_space<hbm>>
        %dma_start3A_264 = tpu.memref_slice %arg4[%mul3A_262] : memref<6400000xi32, #tpu.memory_space<hbm>> -> memref<1024xi32, #tpu.memory_space<hbm>>
        tpu.enqueue_dma source(%dma_start3A_264 : memref<1024xi32, #tpu.memory_space<hbm>>) target(%arg15 : memref<1024xi32, #tpu.memory_space<vmem>>) target_semaphore(%arg29 : memref<!tpu.dma_semaphore, #tpu.memory_space<semaphore_mem>>)
      } else {
      }
      %mul3A_130 = arith.constant 4 : i32
      %mul3A_131 = arith.muli %add3A_95, %mul3A_130 : i32
      %add3A_132 = arith.constant 1 : i32
      %add3A_133 = arith.addi %mul3A_131, %add3A_132 : i32
      %sub3A_134 = arith.constant 1 : i32
      %sub3A_135 = arith.subi %add3A_18, %sub3A_134 : i32
      %min3A_136 = arith.minsi %add3A_133, %sub3A_135 : i32
      %add3A_137 = arith.addi %add3A_12, %min3A_136 : i32
      %mul3A_138 = arith.constant 8 : i32
      %mul3A_139 = arith.muli %add3A_137, %mul3A_138 : i32
      %dma_wait3A_140 = arith.constant 0 : i32
      %dma_wait3A_141 = arith.constant 0 : i32
      %dma_wait3A_142 = tpu.memref_slice %arg3[%mul3A_139, %dma_wait3A_140, %dma_wait3A_141] : memref<50000x2x128xi32, #tpu.memory_space<hbm>> -> memref<8x2x128xi32, #tpu.memory_space<hbm>>
      %dma_wait3A_143 = arith.constant 0 : i32
      %dma_wait3A_144 = arith.constant 0 : i32
      %dma_wait3A_145 = tpu.memref_slice %arg3[%mul3A_139, %dma_wait3A_143, %dma_wait3A_144] : memref<50000x2x128xi32, #tpu.memory_space<hbm>> -> memref<8x2x128xi32, #tpu.memory_space<hbm>>
      tpu.wait_dma2 semaphore(%arg30 : memref<!tpu.dma_semaphore, #tpu.memory_space<semaphore_mem>>) src(%dma_wait3A_145 : memref<8x2x128xi32, #tpu.memory_space<hbm>>) dst(%arg12 : memref<8x2x128xi32, #tpu.memory_space<vmem>>)
      %mul3A_146 = arith.constant 128 : i32
      %mul3A_147 = arith.muli %mul3A_139, %mul3A_146 : i32
      %dma_wait3A_148 = tpu.memref_slice %arg4[%mul3A_147] : memref<6400000xi32, #tpu.memory_space<hbm>> -> memref<1024xi32, #tpu.memory_space<hbm>>
      %dma_wait3A_149 = tpu.memref_slice %arg4[%mul3A_147] : memref<6400000xi32, #tpu.memory_space<hbm>> -> memref<1024xi32, #tpu.memory_space<hbm>>
      tpu.wait_dma2 semaphore(%arg30 : memref<!tpu.dma_semaphore, #tpu.memory_space<semaphore_mem>>) src(%dma_wait3A_149 : memref<1024xi32, #tpu.memory_space<hbm>>) dst(%arg16 : memref<1024xi32, #tpu.memory_space<vmem>>)
      %gt3A_150 = arith.constant 0 : i32
      %gt3A_151 = arith.cmpi sgt, %add3A_95, %gt3A_150 : i32
      %convert_element_type3A_152 = arith.extui %gt3A_151 : i1 to i32
      %cond3A_153 = arith.constant 0 : i32
      %cond3A_154 = arith.cmpi ne, %convert_element_type3A_152, %cond3A_153 : i32
      scf.if %cond3A_154 {
      } else {
      }
      %lt3A_155 = arith.cmpi slt, %add3A_133, %add3A_18 : i32
      %jit3A_156 = arith.constant 1.000000e+00 : f32
      %jit3A_157 = arith.constant 0.000000e+00 : f32
      %select_n3A_158 = arith.select %lt3A_155, %jit3A_156, %jit3A_157 : f32
      %parallel_loop3A_159 = arith.constant 0 : i32
      %parallel_loop3A_160 = arith.constant 64 : i32
      %parallel_loop3A_161 = arith.constant 1 : i32
      scf.for %parallel_loop3A_247 = %parallel_loop3A_159 to %parallel_loop3A_160 step %parallel_loop3A_161  : i32 {
        %parallel_loop3A_248 = arith.constant 3 : i32
        %parallel_loop3A_249 = arith.shrui %parallel_loop3A_247, %parallel_loop3A_248 : i32
        %parallel_loop3A_250 = arith.constant 7 : i32
        %parallel_loop3A_251 = arith.andi %parallel_loop3A_247, %parallel_loop3A_250 : i32
        %parallel_loop3A_252 = arith.constant 16 : i32
        %parallel_loop3A_253 = arith.muli %parallel_loop3A_251, %parallel_loop3A_252 : i32
        %parallel_loop3A_254 = arith.constant 0 : i32
        %parallel_loop3A_255 = arith.index_cast %parallel_loop3A_249 : i32 to index
        %parallel_loop3A_256 = arith.index_cast %parallel_loop3A_254 : i32 to index
        %parallel_loop3A_257 = arith.index_cast %parallel_loop3A_253 : i32 to index
        %parallel_loop3A_258 = tpu.vector_load %arg12[%parallel_loop3A_255, %parallel_loop3A_256, %parallel_loop3A_257] {strides = array<i32>} : memref<8x2x128xi32, #tpu.memory_space<vmem>>, vector<16xi32>,
        %parallel_loop3A_259 = arith.constant 1 : i32
        %parallel_loop3A_260 = arith.index_cast %parallel_loop3A_249 : i32 to index
        %parallel_loop3A_261 = arith.index_cast %parallel_loop3A_259 : i32 to index
        %parallel_loop3A_262 = arith.index_cast %parallel_loop3A_253 : i32 to index
        %parallel_loop3A_263 = tpu.vector_load %arg12[%parallel_loop3A_260, %parallel_loop3A_261, %parallel_loop3A_262] {strides = array<i32>} : memref<8x2x128xi32, #tpu.memory_space<vmem>>, vector<16xi32>,
        %parallel_loop3A_264 = arith.constant 16 : i32
        %parallel_loop3A_265 = arith.muli %parallel_loop3A_247, %parallel_loop3A_264 : i32
        %parallel_loop3A_266 = arith.index_cast %parallel_loop3A_265 : i32 to index
        %parallel_loop3A_267 = tpu.vector_load %arg16[%parallel_loop3A_266] {strides = array<i32>} : memref<1024xi32, #tpu.memory_space<vmem>>, vector<16xi32>,
        %parallel_loop3A_268 = tpu.vector_load_idx %arg8[%parallel_loop3A_258] : memref<100352xi32, #tpu.memory_space<vmem>>[vector<16xi32>], vector<16xi32>,
        %parallel_loop3A_269 = tpu.vector_load_idx %arg8[%parallel_loop3A_263] : memref<100352xi32, #tpu.memory_space<vmem>>[vector<16xi32>], vector<16xi32>,
        %parallel_loop3A_270 = arith.constant 15 : i32
        %parallel_loop3A_271 = vector.broadcast %parallel_loop3A_270 : i32 to vector<16xi32>
        %parallel_loop3A_272 = arith.andi %parallel_loop3A_268, %parallel_loop3A_271 : vector<16xi32>
        %parallel_loop3A_273 = arith.constant 15 : i32
        %parallel_loop3A_274 = vector.broadcast %parallel_loop3A_273 : i32 to vector<16xi32>
        %parallel_loop3A_275 = arith.andi %parallel_loop3A_269, %parallel_loop3A_274 : vector<16xi32>
        %parallel_loop3A_276 = arith.constant -16 : i32
        %parallel_loop3A_277 = vector.broadcast %parallel_loop3A_276 : i32 to vector<16xi32>
        %parallel_loop3A_278 = arith.andi %parallel_loop3A_268, %parallel_loop3A_277 : vector<16xi32>
        %parallel_loop3A_279 = vector.bitcast %parallel_loop3A_278 : vector<16xi32> to vector<16xf32>
        %parallel_loop3A_280 = arith.constant 6 : i32
        %parallel_loop3A_281 = vector.broadcast %parallel_loop3A_280 : i32 to vector<16xi32>
        %parallel_loop3A_282 = arith.shli %parallel_loop3A_275, %parallel_loop3A_281 : vector<16xi32>
        %parallel_loop3A_283 = arith.constant 2 : i32
        %parallel_loop3A_284 = vector.broadcast %parallel_loop3A_283 : i32 to vector<16xi32>
        %parallel_loop3A_285 = arith.shli %parallel_loop3A_272, %parallel_loop3A_284 : vector<16xi32>
        %parallel_loop3A_286 = arith.ori %parallel_loop3A_282, %parallel_loop3A_285 : vector<16xi32>
        %parallel_loop3A_287 = arith.ori %parallel_loop3A_286, %parallel_loop3A_267 : vector<16xi32>
        %parallel_loop3A_288 = tpu.vector_load_idx %arg9[%parallel_loop3A_287] : memref<1024xf32, #tpu.memory_space<vmem>>[vector<16xi32>], vector<16xf32>,
        %parallel_loop3A_289 = arith.index_cast %parallel_loop3A_249 : i32 to index
        %parallel_loop3A_290 = arith.index_cast %parallel_loop3A_253 : i32 to index
        %parallel_loop3A_291 = tpu.vector_load %arg20[%parallel_loop3A_289, %parallel_loop3A_290] {strides = array<i32>} : memref<8x128xi32, #tpu.memory_space<vmem>>, vector<16xi32>,
        tpu.vector_store %arg20[%parallel_loop3A_289, %parallel_loop3A_290], %parallel_loop3A_263 {strides = array<i32>} : memref<8x128xi32, #tpu.memory_space<vmem>>, vector<16xi32>,
        %parallel_loop3A_292 = arith.mulf %parallel_loop3A_288, %parallel_loop3A_279 : vector<16xf32>
        %parallel_loop3A_293 = vector.broadcast %select_n3A_158 : f32 to vector<16xf32>
        %parallel_loop3A_294 = arith.mulf %parallel_loop3A_292, %parallel_loop3A_293 : vector<16xf32>
        %parallel_loop3A_295 = arith.index_cast %parallel_loop3A_249 : i32 to index
        %parallel_loop3A_296 = arith.index_cast %parallel_loop3A_253 : i32 to index
        %parallel_loop3A_297 = tpu.vector_load %arg24[%parallel_loop3A_295, %parallel_loop3A_296] {strides = array<i32>} : memref<8x128xf32, #tpu.memory_space<vmem>>, vector<16xf32>,
        tpu.vector_store %arg24[%parallel_loop3A_295, %parallel_loop3A_296], %parallel_loop3A_294 {strides = array<i32>} : memref<8x128xf32, #tpu.memory_space<vmem>>, vector<16xf32>,
      } {sc.loop_unroll_factor = 8 : i64, sc.parallel_access}
      %add3A_162 = arith.constant 4 : i32
      %add3A_163 = arith.addi %add3A_133, %add3A_162 : i32
      %lt3A_164 = arith.constant 196 : i32
      %lt3A_165 = arith.cmpi slt, %add3A_163, %lt3A_164 : i32
      %convert_element_type3A_166 = arith.extui %lt3A_165 : i1 to i32
      %cond3A_167 = arith.constant 0 : i32
      %cond3A_168 = arith.cmpi ne, %convert_element_type3A_166, %cond3A_167 : i32
      scf.if %cond3A_168 {
        %add3A_247 = arith.constant 4 : i32
        %add3A_248 = arith.addi %add3A_133, %add3A_247 : i32
        %sub3A_249 = arith.constant 1 : i32
        %sub3A_250 = arith.subi %add3A_18, %sub3A_249 : i32
        %min3A_251 = arith.minsi %add3A_248, %sub3A_250 : i32
        %add3A_252 = arith.addi %add3A_12, %min3A_251 : i32
        %mul3A_253 = arith.constant 8 : i32
        %mul3A_254 = arith.muli %add3A_252, %mul3A_253 : i32
        %dma_start3A_255 = arith.constant 0 : i32
        %dma_start3A_256 = arith.constant 0 : i32
        %dma_start3A_257 = tpu.memref_slice %arg3[%mul3A_254, %dma_start3A_255, %dma_start3A_256] : memref<50000x2x128xi32, #tpu.memory_space<hbm>> -> memref<8x2x128xi32, #tpu.memory_space<hbm>>
        %dma_start3A_258 = arith.constant 0 : i32
        %dma_start3A_259 = arith.constant 0 : i32
        %dma_start3A_260 = tpu.memref_slice %arg3[%mul3A_254, %dma_start3A_258, %dma_start3A_259] : memref<50000x2x128xi32, #tpu.memory_space<hbm>> -> memref<8x2x128xi32, #tpu.memory_space<hbm>>
        tpu.enqueue_dma source(%dma_start3A_260 : memref<8x2x128xi32, #tpu.memory_space<hbm>>) target(%arg12 : memref<8x2x128xi32, #tpu.memory_space<vmem>>) target_semaphore(%arg30 : memref<!tpu.dma_semaphore, #tpu.memory_space<semaphore_mem>>)
        %mul3A_261 = arith.constant 128 : i32
        %mul3A_262 = arith.muli %mul3A_254, %mul3A_261 : i32
        %dma_start3A_263 = tpu.memref_slice %arg4[%mul3A_262] : memref<6400000xi32, #tpu.memory_space<hbm>> -> memref<1024xi32, #tpu.memory_space<hbm>>
        %dma_start3A_264 = tpu.memref_slice %arg4[%mul3A_262] : memref<6400000xi32, #tpu.memory_space<hbm>> -> memref<1024xi32, #tpu.memory_space<hbm>>
        tpu.enqueue_dma source(%dma_start3A_264 : memref<1024xi32, #tpu.memory_space<hbm>>) target(%arg16 : memref<1024xi32, #tpu.memory_space<vmem>>) target_semaphore(%arg30 : memref<!tpu.dma_semaphore, #tpu.memory_space<semaphore_mem>>)
      } else {
      }
      %mul3A_169 = arith.constant 4 : i32
      %mul3A_170 = arith.muli %add3A_95, %mul3A_169 : i32
      %add3A_171 = arith.constant 2 : i32
      %add3A_172 = arith.addi %mul3A_170, %add3A_171 : i32
      %sub3A_173 = arith.constant 1 : i32
      %sub3A_174 = arith.subi %add3A_18, %sub3A_173 : i32
      %min3A_175 = arith.minsi %add3A_172, %sub3A_174 : i32
      %add3A_176 = arith.addi %add3A_12, %min3A_175 : i32
      %mul3A_177 = arith.constant 8 : i32
      %mul3A_178 = arith.muli %add3A_176, %mul3A_177 : i32
      %dma_wait3A_179 = arith.constant 0 : i32
      %dma_wait3A_180 = arith.constant 0 : i32
      %dma_wait3A_181 = tpu.memref_slice %arg3[%mul3A_178, %dma_wait3A_179, %dma_wait3A_180] : memref<50000x2x128xi32, #tpu.memory_space<hbm>> -> memref<8x2x128xi32, #tpu.memory_space<hbm>>
      %dma_wait3A_182 = arith.constant 0 : i32
      %dma_wait3A_183 = arith.constant 0 : i32
      %dma_wait3A_184 = tpu.memref_slice %arg3[%mul3A_178, %dma_wait3A_182, %dma_wait3A_183] : memref<50000x2x128xi32, #tpu.memory_space<hbm>> -> memref<8x2x128xi32, #tpu.memory_space<hbm>>
      tpu.wait_dma2 semaphore(%arg31 : memref<!tpu.dma_semaphore, #tpu.memory_space<semaphore_mem>>) src(%dma_wait3A_184 : memref<8x2x128xi32, #tpu.memory_space<hbm>>) dst(%arg13 : memref<8x2x128xi32, #tpu.memory_space<vmem>>)
      %mul3A_185 = arith.constant 128 : i32
      %mul3A_186 = arith.muli %mul3A_178, %mul3A_185 : i32
      %dma_wait3A_187 = tpu.memref_slice %arg4[%mul3A_186] : memref<6400000xi32, #tpu.memory_space<hbm>> -> memref<1024xi32, #tpu.memory_space<hbm>>
      %dma_wait3A_188 = tpu.memref_slice %arg4[%mul3A_186] : memref<6400000xi32, #tpu.memory_space<hbm>> -> memref<1024xi32, #tpu.memory_space<hbm>>
      tpu.wait_dma2 semaphore(%arg31 : memref<!tpu.dma_semaphore, #tpu.memory_space<semaphore_mem>>) src(%dma_wait3A_188 : memref<1024xi32, #tpu.memory_space<hbm>>) dst(%arg17 : memref<1024xi32, #tpu.memory_space<vmem>>)
      %gt3A_189 = arith.constant 0 : i32
      %gt3A_190 = arith.cmpi sgt, %add3A_95, %gt3A_189 : i32
      %convert_element_type3A_191 = arith.extui %gt3A_190 : i1 to i32
      %cond3A_192 = arith.constant 0 : i32
      %cond3A_193 = arith.cmpi ne, %convert_element_type3A_191, %cond3A_192 : i32
      scf.if %cond3A_193 {
      } else {
      }
      %lt3A_194 = arith.cmpi slt, %add3A_172, %add3A_18 : i32
      %jit3A_195 = arith.constant 1.000000e+00 : f32
      %jit3A_196 = arith.constant 0.000000e+00 : f32
      %select_n3A_197 = arith.select %lt3A_194, %jit3A_195, %jit3A_196 : f32
      %parallel_loop3A_198 = arith.constant 0 : i32
      %parallel_loop3A_199 = arith.constant 64 : i32
      %parallel_loop3A_200 = arith.constant 1 : i32
      scf.for %parallel_loop3A_247 = %parallel_loop3A_198 to %parallel_loop3A_199 step %parallel_loop3A_200  : i32 {
        %parallel_loop3A_248 = arith.constant 3 : i32
        %parallel_loop3A_249 = arith.shrui %parallel_loop3A_247, %parallel_loop3A_248 : i32
        %parallel_loop3A_250 = arith.constant 7 : i32
        %parallel_loop3A_251 = arith.andi %parallel_loop3A_247, %parallel_loop3A_250 : i32
        %parallel_loop3A_252 = arith.constant 16 : i32
        %parallel_loop3A_253 = arith.muli %parallel_loop3A_251, %parallel_loop3A_252 : i32
        %parallel_loop3A_254 = arith.constant 0 : i32
        %parallel_loop3A_255 = arith.index_cast %parallel_loop3A_249 : i32 to index
        %parallel_loop3A_256 = arith.index_cast %parallel_loop3A_254 : i32 to index
        %parallel_loop3A_257 = arith.index_cast %parallel_loop3A_253 : i32 to index
        %parallel_loop3A_258 = tpu.vector_load %arg13[%parallel_loop3A_255, %parallel_loop3A_256, %parallel_loop3A_257] {strides = array<i32>} : memref<8x2x128xi32, #tpu.memory_space<vmem>>, vector<16xi32>,
        %parallel_loop3A_259 = arith.constant 1 : i32
        %parallel_loop3A_260 = arith.index_cast %parallel_loop3A_249 : i32 to index
        %parallel_loop3A_261 = arith.index_cast %parallel_loop3A_259 : i32 to index
        %parallel_loop3A_262 = arith.index_cast %parallel_loop3A_253 : i32 to index
        %parallel_loop3A_263 = tpu.vector_load %arg13[%parallel_loop3A_260, %parallel_loop3A_261, %parallel_loop3A_262] {strides = array<i32>} : memref<8x2x128xi32, #tpu.memory_space<vmem>>, vector<16xi32>,
        %parallel_loop3A_264 = arith.constant 16 : i32
        %parallel_loop3A_265 = arith.muli %parallel_loop3A_247, %parallel_loop3A_264 : i32
        %parallel_loop3A_266 = arith.index_cast %parallel_loop3A_265 : i32 to index
        %parallel_loop3A_267 = tpu.vector_load %arg17[%parallel_loop3A_266] {strides = array<i32>} : memref<1024xi32, #tpu.memory_space<vmem>>, vector<16xi32>,
        %parallel_loop3A_268 = tpu.vector_load_idx %arg8[%parallel_loop3A_258] : memref<100352xi32, #tpu.memory_space<vmem>>[vector<16xi32>], vector<16xi32>,
        %parallel_loop3A_269 = tpu.vector_load_idx %arg8[%parallel_loop3A_263] : memref<100352xi32, #tpu.memory_space<vmem>>[vector<16xi32>], vector<16xi32>,
        %parallel_loop3A_270 = arith.constant 15 : i32
        %parallel_loop3A_271 = vector.broadcast %parallel_loop3A_270 : i32 to vector<16xi32>
        %parallel_loop3A_272 = arith.andi %parallel_loop3A_268, %parallel_loop3A_271 : vector<16xi32>
        %parallel_loop3A_273 = arith.constant 15 : i32
        %parallel_loop3A_274 = vector.broadcast %parallel_loop3A_273 : i32 to vector<16xi32>
        %parallel_loop3A_275 = arith.andi %parallel_loop3A_269, %parallel_loop3A_274 : vector<16xi32>
        %parallel_loop3A_276 = arith.constant -16 : i32
        %parallel_loop3A_277 = vector.broadcast %parallel_loop3A_276 : i32 to vector<16xi32>
        %parallel_loop3A_278 = arith.andi %parallel_loop3A_268, %parallel_loop3A_277 : vector<16xi32>
        %parallel_loop3A_279 = vector.bitcast %parallel_loop3A_278 : vector<16xi32> to vector<16xf32>
        %parallel_loop3A_280 = arith.constant 6 : i32
        %parallel_loop3A_281 = vector.broadcast %parallel_loop3A_280 : i32 to vector<16xi32>
        %parallel_loop3A_282 = arith.shli %parallel_loop3A_275, %parallel_loop3A_281 : vector<16xi32>
        %parallel_loop3A_283 = arith.constant 2 : i32
        %parallel_loop3A_284 = vector.broadcast %parallel_loop3A_283 : i32 to vector<16xi32>
        %parallel_loop3A_285 = arith.shli %parallel_loop3A_272, %parallel_loop3A_284 : vector<16xi32>
        %parallel_loop3A_286 = arith.ori %parallel_loop3A_282, %parallel_loop3A_285 : vector<16xi32>
        %parallel_loop3A_287 = arith.ori %parallel_loop3A_286, %parallel_loop3A_267 : vector<16xi32>
        %parallel_loop3A_288 = tpu.vector_load_idx %arg9[%parallel_loop3A_287] : memref<1024xf32, #tpu.memory_space<vmem>>[vector<16xi32>], vector<16xf32>,
        %parallel_loop3A_289 = arith.index_cast %parallel_loop3A_249 : i32 to index
        %parallel_loop3A_290 = arith.index_cast %parallel_loop3A_253 : i32 to index
        %parallel_loop3A_291 = tpu.vector_load %arg21[%parallel_loop3A_289, %parallel_loop3A_290] {strides = array<i32>} : memref<8x128xi32, #tpu.memory_space<vmem>>, vector<16xi32>,
        tpu.vector_store %arg21[%parallel_loop3A_289, %parallel_loop3A_290], %parallel_loop3A_263 {strides = array<i32>} : memref<8x128xi32, #tpu.memory_space<vmem>>, vector<16xi32>,
        %parallel_loop3A_292 = arith.mulf %parallel_loop3A_288, %parallel_loop3A_279 : vector<16xf32>
        %parallel_loop3A_293 = vector.broadcast %select_n3A_197 : f32 to vector<16xf32>
        %parallel_loop3A_294 = arith.mulf %parallel_loop3A_292, %parallel_loop3A_293 : vector<16xf32>
        %parallel_loop3A_295 = arith.index_cast %parallel_loop3A_249 : i32 to index
        %parallel_loop3A_296 = arith.index_cast %parallel_loop3A_253 : i32 to index
        %parallel_loop3A_297 = tpu.vector_load %arg25[%parallel_loop3A_295, %parallel_loop3A_296] {strides = array<i32>} : memref<8x128xf32, #tpu.memory_space<vmem>>, vector<16xf32>,
        tpu.vector_store %arg25[%parallel_loop3A_295, %parallel_loop3A_296], %parallel_loop3A_294 {strides = array<i32>} : memref<8x128xf32, #tpu.memory_space<vmem>>, vector<16xf32>,
      } {sc.loop_unroll_factor = 8 : i64, sc.parallel_access}
      %add3A_201 = arith.constant 4 : i32
      %add3A_202 = arith.addi %add3A_172, %add3A_201 : i32
      %lt3A_203 = arith.constant 196 : i32
      %lt3A_204 = arith.cmpi slt, %add3A_202, %lt3A_203 : i32
      %convert_element_type3A_205 = arith.extui %lt3A_204 : i1 to i32
      %cond3A_206 = arith.constant 0 : i32
      %cond3A_207 = arith.cmpi ne, %convert_element_type3A_205, %cond3A_206 : i32
      scf.if %cond3A_207 {
        %add3A_247 = arith.constant 4 : i32
        %add3A_248 = arith.addi %add3A_172, %add3A_247 : i32
        %sub3A_249 = arith.constant 1 : i32
        %sub3A_250 = arith.subi %add3A_18, %sub3A_249 : i32
        %min3A_251 = arith.minsi %add3A_248, %sub3A_250 : i32
        %add3A_252 = arith.addi %add3A_12, %min3A_251 : i32
        %mul3A_253 = arith.constant 8 : i32
        %mul3A_254 = arith.muli %add3A_252, %mul3A_253 : i32
        %dma_start3A_255 = arith.constant 0 : i32
        %dma_start3A_256 = arith.constant 0 : i32
        %dma_start3A_257 = tpu.memref_slice %arg3[%mul3A_254, %dma_start3A_255, %dma_start3A_256] : memref<50000x2x128xi32, #tpu.memory_space<hbm>> -> memref<8x2x128xi32, #tpu.memory_space<hbm>>
        %dma_start3A_258 = arith.constant 0 : i32
        %dma_start3A_259 = arith.constant 0 : i32
        %dma_start3A_260 = tpu.memref_slice %arg3[%mul3A_254, %dma_start3A_258, %dma_start3A_259] : memref<50000x2x128xi32, #tpu.memory_space<hbm>> -> memref<8x2x128xi32, #tpu.memory_space<hbm>>
        tpu.enqueue_dma source(%dma_start3A_260 : memref<8x2x128xi32, #tpu.memory_space<hbm>>) target(%arg13 : memref<8x2x128xi32, #tpu.memory_space<vmem>>) target_semaphore(%arg31 : memref<!tpu.dma_semaphore, #tpu.memory_space<semaphore_mem>>)
        %mul3A_261 = arith.constant 128 : i32
        %mul3A_262 = arith.muli %mul3A_254, %mul3A_261 : i32
        %dma_start3A_263 = tpu.memref_slice %arg4[%mul3A_262] : memref<6400000xi32, #tpu.memory_space<hbm>> -> memref<1024xi32, #tpu.memory_space<hbm>>
        %dma_start3A_264 = tpu.memref_slice %arg4[%mul3A_262] : memref<6400000xi32, #tpu.memory_space<hbm>> -> memref<1024xi32, #tpu.memory_space<hbm>>
        tpu.enqueue_dma source(%dma_start3A_264 : memref<1024xi32, #tpu.memory_space<hbm>>) target(%arg17 : memref<1024xi32, #tpu.memory_space<vmem>>) target_semaphore(%arg31 : memref<!tpu.dma_semaphore, #tpu.memory_space<semaphore_mem>>)
      } else {
      }
      %mul3A_208 = arith.constant 4 : i32
      %mul3A_209 = arith.muli %add3A_95, %mul3A_208 : i32
      %add3A_210 = arith.constant 3 : i32
      %add3A_211 = arith.addi %mul3A_209, %add3A_210 : i32
      %sub3A_212 = arith.constant 1 : i32
      %sub3A_213 = arith.subi %add3A_18, %sub3A_212 : i32
      %min3A_214 = arith.minsi %add3A_211, %sub3A_213 : i32
      %add3A_215 = arith.addi %add3A_12, %min3A_214 : i32
      %mul3A_216 = arith.constant 8 : i32
      %mul3A_217 = arith.muli %add3A_215, %mul3A_216 : i32
      %dma_wait3A_218 = arith.constant 0 : i32
      %dma_wait3A_219 = arith.constant 0 : i32
      %dma_wait3A_220 = tpu.memref_slice %arg3[%mul3A_217, %dma_wait3A_218, %dma_wait3A_219] : memref<50000x2x128xi32, #tpu.memory_space<hbm>> -> memref<8x2x128xi32, #tpu.memory_space<hbm>>
      %dma_wait3A_221 = arith.constant 0 : i32
      %dma_wait3A_222 = arith.constant 0 : i32
      %dma_wait3A_223 = tpu.memref_slice %arg3[%mul3A_217, %dma_wait3A_221, %dma_wait3A_222] : memref<50000x2x128xi32, #tpu.memory_space<hbm>> -> memref<8x2x128xi32, #tpu.memory_space<hbm>>
      tpu.wait_dma2 semaphore(%arg32 : memref<!tpu.dma_semaphore, #tpu.memory_space<semaphore_mem>>) src(%dma_wait3A_223 : memref<8x2x128xi32, #tpu.memory_space<hbm>>) dst(%arg14 : memref<8x2x128xi32, #tpu.memory_space<vmem>>)
      %mul3A_224 = arith.constant 128 : i32
      %mul3A_225 = arith.muli %mul3A_217, %mul3A_224 : i32
      %dma_wait3A_226 = tpu.memref_slice %arg4[%mul3A_225] : memref<6400000xi32, #tpu.memory_space<hbm>> -> memref<1024xi32, #tpu.memory_space<hbm>>
      %dma_wait3A_227 = tpu.memref_slice %arg4[%mul3A_225] : memref<6400000xi32, #tpu.memory_space<hbm>> -> memref<1024xi32, #tpu.memory_space<hbm>>
      tpu.wait_dma2 semaphore(%arg32 : memref<!tpu.dma_semaphore, #tpu.memory_space<semaphore_mem>>) src(%dma_wait3A_227 : memref<1024xi32, #tpu.memory_space<hbm>>) dst(%arg18 : memref<1024xi32, #tpu.memory_space<vmem>>)
      %gt3A_228 = arith.constant 0 : i32
      %gt3A_229 = arith.cmpi sgt, %add3A_95, %gt3A_228 : i32
      %convert_element_type3A_230 = arith.extui %gt3A_229 : i1 to i32
      %cond3A_231 = arith.constant 0 : i32
      %cond3A_232 = arith.cmpi ne, %convert_element_type3A_230, %cond3A_231 : i32
      scf.if %cond3A_232 {
      } else {
      }
      %lt3A_233 = arith.cmpi slt, %add3A_211, %add3A_18 : i32
      %jit3A_234 = arith.constant 1.000000e+00 : f32
      %jit3A_235 = arith.constant 0.000000e+00 : f32
      %select_n3A_236 = arith.select %lt3A_233, %jit3A_234, %jit3A_235 : f32
      %parallel_loop3A_237 = arith.constant 0 : i32
      %parallel_loop3A_238 = arith.constant 64 : i32
      %parallel_loop3A_239 = arith.constant 1 : i32
      scf.for %parallel_loop3A_247 = %parallel_loop3A_237 to %parallel_loop3A_238 step %parallel_loop3A_239  : i32 {
        %parallel_loop3A_248 = arith.constant 3 : i32
        %parallel_loop3A_249 = arith.shrui %parallel_loop3A_247, %parallel_loop3A_248 : i32
        %parallel_loop3A_250 = arith.constant 7 : i32
        %parallel_loop3A_251 = arith.andi %parallel_loop3A_247, %parallel_loop3A_250 : i32
        %parallel_loop3A_252 = arith.constant 16 : i32
        %parallel_loop3A_253 = arith.muli %parallel_loop3A_251, %parallel_loop3A_252 : i32
        %parallel_loop3A_254 = arith.constant 0 : i32
        %parallel_loop3A_255 = arith.index_cast %parallel_loop3A_249 : i32 to index
        %parallel_loop3A_256 = arith.index_cast %parallel_loop3A_254 : i32 to index
        %parallel_loop3A_257 = arith.index_cast %parallel_loop3A_253 : i32 to index
        %parallel_loop3A_258 = tpu.vector_load %arg14[%parallel_loop3A_255, %parallel_loop3A_256, %parallel_loop3A_257] {strides = array<i32>} : memref<8x2x128xi32, #tpu.memory_space<vmem>>, vector<16xi32>,
        %parallel_loop3A_259 = arith.constant 1 : i32
        %parallel_loop3A_260 = arith.index_cast %parallel_loop3A_249 : i32 to index
        %parallel_loop3A_261 = arith.index_cast %parallel_loop3A_259 : i32 to index
        %parallel_loop3A_262 = arith.index_cast %parallel_loop3A_253 : i32 to index
        %parallel_loop3A_263 = tpu.vector_load %arg14[%parallel_loop3A_260, %parallel_loop3A_261, %parallel_loop3A_262] {strides = array<i32>} : memref<8x2x128xi32, #tpu.memory_space<vmem>>, vector<16xi32>,
        %parallel_loop3A_264 = arith.constant 16 : i32
        %parallel_loop3A_265 = arith.muli %parallel_loop3A_247, %parallel_loop3A_264 : i32
        %parallel_loop3A_266 = arith.index_cast %parallel_loop3A_265 : i32 to index
        %parallel_loop3A_267 = tpu.vector_load %arg18[%parallel_loop3A_266] {strides = array<i32>} : memref<1024xi32, #tpu.memory_space<vmem>>, vector<16xi32>,
        %parallel_loop3A_268 = tpu.vector_load_idx %arg8[%parallel_loop3A_258] : memref<100352xi32, #tpu.memory_space<vmem>>[vector<16xi32>], vector<16xi32>,
        %parallel_loop3A_269 = tpu.vector_load_idx %arg8[%parallel_loop3A_263] : memref<100352xi32, #tpu.memory_space<vmem>>[vector<16xi32>], vector<16xi32>,
        %parallel_loop3A_270 = arith.constant 15 : i32
        %parallel_loop3A_271 = vector.broadcast %parallel_loop3A_270 : i32 to vector<16xi32>
        %parallel_loop3A_272 = arith.andi %parallel_loop3A_268, %parallel_loop3A_271 : vector<16xi32>
        %parallel_loop3A_273 = arith.constant 15 : i32
        %parallel_loop3A_274 = vector.broadcast %parallel_loop3A_273 : i32 to vector<16xi32>
        %parallel_loop3A_275 = arith.andi %parallel_loop3A_269, %parallel_loop3A_274 : vector<16xi32>
        %parallel_loop3A_276 = arith.constant -16 : i32
        %parallel_loop3A_277 = vector.broadcast %parallel_loop3A_276 : i32 to vector<16xi32>
        %parallel_loop3A_278 = arith.andi %parallel_loop3A_268, %parallel_loop3A_277 : vector<16xi32>
        %parallel_loop3A_279 = vector.bitcast %parallel_loop3A_278 : vector<16xi32> to vector<16xf32>
        %parallel_loop3A_280 = arith.constant 6 : i32
        %parallel_loop3A_281 = vector.broadcast %parallel_loop3A_280 : i32 to vector<16xi32>
        %parallel_loop3A_282 = arith.shli %parallel_loop3A_275, %parallel_loop3A_281 : vector<16xi32>
        %parallel_loop3A_283 = arith.constant 2 : i32
        %parallel_loop3A_284 = vector.broadcast %parallel_loop3A_283 : i32 to vector<16xi32>
        %parallel_loop3A_285 = arith.shli %parallel_loop3A_272, %parallel_loop3A_284 : vector<16xi32>
        %parallel_loop3A_286 = arith.ori %parallel_loop3A_282, %parallel_loop3A_285 : vector<16xi32>
        %parallel_loop3A_287 = arith.ori %parallel_loop3A_286, %parallel_loop3A_267 : vector<16xi32>
        %parallel_loop3A_288 = tpu.vector_load_idx %arg9[%parallel_loop3A_287] : memref<1024xf32, #tpu.memory_space<vmem>>[vector<16xi32>], vector<16xf32>,
        %parallel_loop3A_289 = arith.index_cast %parallel_loop3A_249 : i32 to index
        %parallel_loop3A_290 = arith.index_cast %parallel_loop3A_253 : i32 to index
        %parallel_loop3A_291 = tpu.vector_load %arg22[%parallel_loop3A_289, %parallel_loop3A_290] {strides = array<i32>} : memref<8x128xi32, #tpu.memory_space<vmem>>, vector<16xi32>,
        tpu.vector_store %arg22[%parallel_loop3A_289, %parallel_loop3A_290], %parallel_loop3A_263 {strides = array<i32>} : memref<8x128xi32, #tpu.memory_space<vmem>>, vector<16xi32>,
        %parallel_loop3A_292 = arith.mulf %parallel_loop3A_288, %parallel_loop3A_279 : vector<16xf32>
        %parallel_loop3A_293 = vector.broadcast %select_n3A_236 : f32 to vector<16xf32>
        %parallel_loop3A_294 = arith.mulf %parallel_loop3A_292, %parallel_loop3A_293 : vector<16xf32>
        %parallel_loop3A_295 = arith.index_cast %parallel_loop3A_249 : i32 to index
        %parallel_loop3A_296 = arith.index_cast %parallel_loop3A_253 : i32 to index
        %parallel_loop3A_297 = tpu.vector_load %arg26[%parallel_loop3A_295, %parallel_loop3A_296] {strides = array<i32>} : memref<8x128xf32, #tpu.memory_space<vmem>>, vector<16xf32>,
        tpu.vector_store %arg26[%parallel_loop3A_295, %parallel_loop3A_296], %parallel_loop3A_294 {strides = array<i32>} : memref<8x128xf32, #tpu.memory_space<vmem>>, vector<16xf32>,
      } {sc.loop_unroll_factor = 8 : i64, sc.parallel_access}
      %add3A_240 = arith.constant 4 : i32
      %add3A_241 = arith.addi %add3A_211, %add3A_240 : i32
      %lt3A_242 = arith.constant 196 : i32
      %lt3A_243 = arith.cmpi slt, %add3A_241, %lt3A_242 : i32
      %convert_element_type3A_244 = arith.extui %lt3A_243 : i1 to i32
      %cond3A_245 = arith.constant 0 : i32
      %cond3A_246 = arith.cmpi ne, %convert_element_type3A_244, %cond3A_245 : i32
      scf.if %cond3A_246 {
        %add3A_247 = arith.constant 4 : i32
        %add3A_248 = arith.addi %add3A_211, %add3A_247 : i32
        %sub3A_249 = arith.constant 1 : i32
        %sub3A_250 = arith.subi %add3A_18, %sub3A_249 : i32
        %min3A_251 = arith.minsi %add3A_248, %sub3A_250 : i32
        %add3A_252 = arith.addi %add3A_12, %min3A_251 : i32
        %mul3A_253 = arith.constant 8 : i32
        %mul3A_254 = arith.muli %add3A_252, %mul3A_253 : i32
        %dma_start3A_255 = arith.constant 0 : i32
        %dma_start3A_256 = arith.constant 0 : i32
        %dma_start3A_257 = tpu.memref_slice %arg3[%mul3A_254, %dma_start3A_255, %dma_start3A_256] : memref<50000x2x128xi32, #tpu.memory_space<hbm>> -> memref<8x2x128xi32, #tpu.memory_space<hbm>>
        %dma_start3A_258 = arith.constant 0 : i32
        %dma_start3A_259 = arith.constant 0 : i32
        %dma_start3A_260 = tpu.memref_slice %arg3[%mul3A_254, %dma_start3A_258, %dma_start3A_259] : memref<50000x2x128xi32, #tpu.memory_space<hbm>> -> memref<8x2x128xi32, #tpu.memory_space<hbm>>
        tpu.enqueue_dma source(%dma_start3A_260 : memref<8x2x128xi32, #tpu.memory_space<hbm>>) target(%arg14 : memref<8x2x128xi32, #tpu.memory_space<vmem>>) target_semaphore(%arg32 : memref<!tpu.dma_semaphore, #tpu.memory_space<semaphore_mem>>)
        %mul3A_261 = arith.constant 128 : i32
        %mul3A_262 = arith.muli %mul3A_254, %mul3A_261 : i32
        %dma_start3A_263 = tpu.memref_slice %arg4[%mul3A_262] : memref<6400000xi32, #tpu.memory_space<hbm>> -> memref<1024xi32, #tpu.memory_space<hbm>>
        %dma_start3A_264 = tpu.memref_slice %arg4[%mul3A_262] : memref<6400000xi32, #tpu.memory_space<hbm>> -> memref<1024xi32, #tpu.memory_space<hbm>>
        tpu.enqueue_dma source(%dma_start3A_264 : memref<1024xi32, #tpu.memory_space<hbm>>) target(%arg18 : memref<1024xi32, #tpu.memory_space<vmem>>) target_semaphore(%arg32 : memref<!tpu.dma_semaphore, #tpu.memory_space<semaphore_mem>>)
      } else {
      }
    }
    %scan3A_89 = arith.constant 49 : i32
    %barrier3A_90 = arith.constant 0 : index
    tpu.barrier barrier_id(%barrier3A_90)
    "tpu.region"() ({
      %run_scoped3A = tpu.sem_alloc : memref<!tpu.dma_semaphore, #tpu.memory_space<semaphore_mem>>
      %dma_start3A_91 = tpu.memref_slice %arg7[%arg0, %mul3A_2] : memref<2x100352xf32, #tpu.memory_space<hbm>> -> memref<1x6272xf32, #tpu.memory_space<hbm>>
      %dma_start3A_92 = tpu.memref_squeeze %dma_start3A_91 : memref<1x6272xf32, #tpu.memory_space<hbm>> -> memref<6272xf32, #tpu.memory_space<hbm>>
      %dma_start3A_93 = tpu.memref_slice %arg28[%mul3A_2] : memref<100352xf32, #tpu.memory_space<vmem_shared>> -> memref<6272xf32, #tpu.memory_space<vmem_shared>>
      tpu.enqueue_dma source(%dma_start3A_93 : memref<6272xf32, #tpu.memory_space<vmem_shared>>) target(%dma_start3A_92 : memref<6272xf32, #tpu.memory_space<hbm>>) target_semaphore(%run_scoped3A : memref<!tpu.dma_semaphore, #tpu.memory_space<semaphore_mem>>)
      %dma_wait3A = tpu.memref_slice %arg7[%arg0, %mul3A_2] : memref<2x100352xf32, #tpu.memory_space<hbm>> -> memref<1x6272xf32, #tpu.memory_space<hbm>>
      %dma_wait3A_94 = tpu.memref_squeeze %dma_wait3A : memref<1x6272xf32, #tpu.memory_space<hbm>> -> memref<6272xf32, #tpu.memory_space<hbm>>
      %dma_wait3A_95 = tpu.memref_slice %arg28[%mul3A_2] : memref<100352xf32, #tpu.memory_space<vmem_shared>> -> memref<6272xf32, #tpu.memory_space<vmem_shared>>
      tpu.wait_dma2 semaphore(%run_scoped3A : memref<!tpu.dma_semaphore, #tpu.memory_space<semaphore_mem>>) src(%dma_wait3A_95 : memref<6272xf32, #tpu.memory_space<vmem_shared>>) dst(%dma_wait3A_94 : memref<6272xf32, #tpu.memory_space<hbm>>)
      tpu.yield
    }) : () -> ()
    return
  }
}

module attributes {stable_mosaic.version = 14 : i64} {
  func.func @_combine_body(%arg0: memref<2x784x128xf32, #tpu.memory_space<vmem>>, %arg1: memref<784x128xf32, #tpu.memory_space<vmem>>) attributes {dimension_semantics = [], scalar_prefetch = 0 : i64, scratch_operands = 0 : i64, tpu.core_type = #tpu.core_type<tc>} {
    %get3A = arith.constant 0 : index
    %get3A_0 = arith.constant 0 : index
    %get3A_1 = arith.constant 0 : index
    %get3A_2 = vector.load %arg0[%get3A, %get3A_0, %get3A_1] : memref<2x784x128xf32, #tpu.memory_space<vmem>>, vector<1x784x128xf32>
    %get3A_3 = vector.shape_cast %get3A_2 : vector<1x784x128xf32> to vector<784x128xf32>
    %get3A_4 = arith.constant 1 : index
    %get3A_5 = arith.constant 0 : index
    %get3A_6 = arith.constant 0 : index
    %get3A_7 = vector.load %arg0[%get3A_4, %get3A_5, %get3A_6] : memref<2x784x128xf32, #tpu.memory_space<vmem>>, vector<1x784x128xf32>
    %get3A_8 = vector.shape_cast %get3A_7 : vector<1x784x128xf32> to vector<784x128xf32>
    %add3A = arith.addf %get3A_3, %get3A_8 : vector<784x128xf32>
    %swap3A = arith.constant 0 : index
    %swap3A_9 = arith.constant 0 : index
    %swap3A_10 = vector.load %arg1[%swap3A, %swap3A_9] : memref<784x128xf32, #tpu.memory_space<vmem>>, vector<784x128xf32>
    tpu.vector_store %arg1[%swap3A, %swap3A_9], %add3A {strides = array<i32>} : memref<784x128xf32, #tpu.memory_space<vmem>>, vector<784x128xf32>,
    return
  }
}

</mosaic_0001>

<sc_bundles>
// kernel: kernel.4.cloned.1.call-start
scs
__scs_entry_jumppad:
0x0: {  	(pc) =	sbr.rel $0x88, $3  }
0x1: {  	(tag) =	ssettag $0x0;
	lr =	simm.s32 $0x1  }
0x2: {  	[smem:$0x3F9B] =	sst lr;
	_ =	strace $0xD0000000  }
0x3: {  	_ = 	snop  }
0x4: {  	_ = 	snop  }
0x5: {  	_ = 	snop  }
0x6: {  	_ = 	snop  }
0x7: {  	_ = 	snop  }
__scs_overlays_trampoline_lowered:
0x8: {  	[smem:$0x3FAA] =	sst s0  }
0x9: {  	[smem:$0x3FAB] =	sst s1  }
0xa: {  	[smem:$0x3FAC] =	sst s2  }
0xb: {  	[smem:$0x3FAD] =	sst s3  }
0xc: {  	[smem:$0x3FAE] =	sst s4  }
0xd: {  	[smem:$0x3FAF] =	sst s5  }
0xe: {  	[smem:$0x3FB0] =	sst s6  }
0xf: {  	[smem:$0x3FB1] =	sst s7  }
0x10: {  	[smem:$0x3FB2] =	sst s8  }
0x11: {  	[smem:$0x3FB3] =	sst s9;
	s0 =	simm.s32 @!p0 $0x0  }
0x12: {  	s1 =	sld [smem:$0x3F99];
	s0 =	simm.s32 @p0 $0x1  }
0x13: {  	[smem:$0x3FB4] =	sst s0;
	s0 =	simm.s32 @!p1 $0x0  }
0x14: {  	s2 =	sld [smem:$0x3F98];
	s0 =	simm.s32 @p1 $0x1  }
0x15: {  	[smem:$0x3FB5] =	sst s0;
	s0 =	simm.s32 @!p2 $0x0  }
0x16: {  	s3 =	sld [smem:$0x3FDB];
	s0 =	simm.s32 @p2 $0x1  }
0x17: {  	s4 =	simm.s32 $0x1BF5;
	[smem:$0x3FB7] =	sst s0  }
0x18: {  	s0 =	sld [smem:$0x3F9A];
	_ =	swait.ge [sflag:s4], $0x0  }
0x19: {  	s7 =	sld [smem:$0x3F9B]  }
0x1a: {  	s8 =	sadd.s32 $0xFFFFE003, lr  }
0x1b: {  	s9 =	sadd.s32 $0xFFFFFEF7, lr;
	s5 =	simm.s32 $0xFFFFFFFF;
	p2 =	slt.u32 s8, $0xFFFFF086  }
0x1c: {  	p1 =	slt.u32 s9, $0xF7A;
	s5 =	simm.s32 @!p2 $0x0  }
0x1d: {  	s5 =	simm.s32 @p1 $0x1;
	p0 =	seq.s32 s7, s2  }
0x1e: {  	s7 =	smul.u32 @!p0 $0xF7A, s2;
	p2 =	seq.s32 @!p0 s5, $0x0  }
0x1f: {  	s9 =	smul.u32 $0xF7A, s1;
	s8 =	simm.s32 @!p0 $0x1BF5;
	p2 =	por !p2, p0  }
0x20: {  	[sflag:s8] =	ssyncset.s32 @!p0 $0xFFFFF086;
	s6 =	sadd.s32 @!p0 s3, s7;
	s7 =	simm.s32 @!p0 $0x108  }
0x21: {  	s3 =	sadd.s32 s3, s9;
	s6 =	sadd.s32 @!p0 $0x88, s6;
	s7 =	simm.s32 @p2 $0x1082  }
0x22: {  	[simem:s7], [sflag:s8] =	dma.local @!p0 [hbm:s6], $0xF7A  }
0x23: {  	s9 =	sor.u32 $0xD0000000, s2;
	s6 =	simm.s32 $0x108;
	_ =	swait.ge @!p0 [sflag:s8], $0x0  }
0x24: {  	s3 =	sadd.s32 $0x88, s3;
	s6 =	simm.s32 @!p1 $0x1082;
	[sflag:s4] =	ssyncset.s32 $0xFFFFF086  }
0x25: {  	[simem:s6], [sflag:s4] =	dma.local [hbm:s3], $0xF7A  }
0x26: {  	[smem:$0x3F9B] =	sst s1;
	(tag) =	ssettag s2;
	_ =	strace s9  }
0x27: {  	s1 =	sld [smem:$0x3FAB]  }
0x28: {  	s2 =	sld [smem:$0x3FAC]  }
0x29: {  	s4 =	sld [smem:$0x3FAE]  }
0x2a: {  	p0 =	seq.s32 s5, $0x0;
	s5 =	sld [smem:$0x3FAF]  }
0x2b: {  	s6 =	sld [smem:$0x3FB0]  }
0x2c: {  	s7 =	sld [smem:$0x3FB1]  }
0x2d: {  	s3 =	simm.s32 $0x108;
	s8 =	sld [smem:$0x3FB2]  }
0x2e: {  	s3 =	simm.s32 @!p0 $0x1082;
	s9 =	sld [smem:$0x3FB3]  }
0x2f: {  	lr =	sadd.s32 s0, s3;
	s0 =	sld [smem:$0x3FAA]  }
0x30: {  	s3 =	sld [smem:$0x3FAD]  }
0x31: {  	[smem:$0x3FB6] =	sst s10  }
0x32: {  	s10 =	sld [smem:$0x3FB4];
	_ =	sdelay $0x3  }
0x33: {  	p0 =	seq.s32 s10, $0x1;
	s10 =	sld [smem:$0x3FB6];
	_ =	sdelay $0x3  }
0x34: {  	[smem:$0x3FB6] =	sst s10  }
0x35: {  	s10 =	sld [smem:$0x3FB5];
	_ =	sdelay $0x3  }
0x36: {  	p1 =	seq.s32 s10, $0x1;
	s10 =	sld [smem:$0x3FB6];
	_ =	sdelay $0x3  }
0x37: {  	[smem:$0x3FB6] =	sst s10  }
0x38: {  	s10 =	sld [smem:$0x3FB7]  }
0x39: {  	_ = 	snop;
	(pc) =	sbr.ind lr, $3  }
0x3a: {  	_ = 	snop  }
0x3b: {  	_ = 	snop  }
0x3c: {  	p2 =	seq.s32 s10, $0x1;
	s10 =	sld [smem:$0x3FB6]  }
0x3d: {  	_ =	shalt  }
0x3e: {  	_ =	shalt  }
0x3f: {  	_ =	shalt  }
0x40: {  	_ =	shalt  }
0x41: {  	_ =	shalt  }
0x42: {  	_ =	shalt  }
0x43: {  	_ =	shalt  }
0x44: {  	_ =	shalt  }
0x45: {  	_ =	shalt  }
0x46: {  	_ =	shalt  }
0x47: {  	_ =	shalt  }
0x48: {  	_ =	shalt  }
0x49: {  	_ =	shalt  }
0x4a: {  	_ =	shalt  }
0x4b: {  	_ =	shalt  }
0x4c: {  	_ =	shalt  }
0x4d: {  	_ =	shalt  }
0x4e: {  	_ =	shalt  }
0x4f: {  	_ =	shalt  }
0x50: {  	_ =	shalt  }
0x51: {  	_ =	shalt  }
0x52: {  	_ =	shalt  }
0x53: {  	_ =	shalt  }
0x54: {  	_ =	shalt  }
0x55: {  	_ =	shalt  }
0x56: {  	_ =	shalt  }
0x57: {  	_ =	shalt  }
0x58: {  	_ =	shalt  }
0x59: {  	_ =	shalt  }
0x5a: {  	_ =	shalt  }
0x5b: {  	_ =	shalt  }
0x5c: {  	_ =	shalt  }
0x5d: {  	_ =	shalt  }
0x5e: {  	_ =	shalt  }
0x5f: {  	_ =	shalt  }
0x60: {  	_ =	shalt  }
0x61: {  	_ =	shalt  }
0x62: {  	_ =	shalt  }
0x63: {  	_ =	shalt  }
0x64: {  	_ =	shalt  }
0x65: {  	_ =	shalt  }
0x66: {  	_ =	shalt  }
0x67: {  	_ =	shalt  }
0x68: {  	_ =	shalt  }
0x69: {  	_ =	shalt  }
0x6a: {  	_ =	shalt  }
0x6b: {  	_ =	shalt  }
0x6c: {  	_ =	shalt  }
0x6d: {  	_ =	shalt  }
0x6e: {  	_ =	shalt  }
0x6f: {  	_ =	shalt  }
0x70: {  	_ =	shalt  }
0x71: {  	_ =	shalt  }
0x72: {  	_ =	shalt  }
0x73: {  	_ =	shalt  }
0x74: {  	_ =	shalt  }
0x75: {  	_ =	shalt  }
0x76: {  	_ =	shalt  }
0x77: {  	_ =	shalt  }
0x78: {  	_ =	shalt  }
0x79: {  	_ =	shalt  }
0x7a: {  	_ =	shalt  }
0x7b: {  	_ =	shalt  }
0x7c: {  	_ =	shalt  }
0x7d: {  	_ =	shalt  }
0x7e: {  	_ =	shalt  }
0x7f: {  	_ =	shalt  }
0x80: {  	_ =	shalt  }
0x81: {  	_ =	shalt  }
0x82: {  	_ =	shalt  }
0x83: {  	_ =	shalt  }
0x84: {  	_ =	shalt  }
0x85: {  	_ =	shalt  }
0x86: {  	_ =	shalt  }
0x87: {  	_ =	shalt  }
.Lfunc_end0:
.L_simem_size_0:
called_computation_lowered:
.L_overlay_start_0:
0x88: {  	s2 =	sld [smem:$0x3FD9]  }
0x89: {  	s3 =	sld [smem:$0x3FFE];
	_ =	sdelay $0x1  }
0x8a: {  	s1 =	srdreg.scid  }
0x8b: {  	s0 =	sand.u32 $0x1, s1  }
0x8c: {  	s17 =	sshll.u32 s0, $0xA;
	s2 =	sadd.s32 s3, s2  }
0x8d: {  	s2 =	sadd.s32 s2, s17  }
0x8e: {  	[smem:$0x3FC2] =	sst s2  }
0x8f: {  	_ = 	snop  }
0x90: {  	s2 =	sld [smem:$0x3FC8]  }
0x91: {  	s18 =	sld [smem:$0x3FC6]  }
0x92: {  	s4 =	sld [smem:$0x3FC5]  }
0x93: {  	s5 =	sld [smem:$0x3FD0];
	(tm) =	ssettm $0x1  }
0x94: {  	s6 =	sld [smem:$0x3FFB];
	_ =	sdelay $0x3  }
0x95: {  	_ =	strace s6  }
0x96: {  	s6 =	sld [smem:$0x3FFC];
	_ =	sdelay $0x3  }
0x97: {  	_ =	strace s6  }
0x98: {  	s6 =	sld [smem:$0x3FFD];
	_ =	sdelay $0x3  }
0x99: {  	_ =	strace s6  }
0x9a: {  	_ =	strace $0x8FFFFFFF  }
0x9b: {  	s19 =	sld [smem:$0x3FDB];
	_ =	sdelay $0x1  }
0x9c: {  	s7 =	simm.s32 $_scs_section_size  }
0x9d: {  	s8 =	simm.s32 $_size__tile_overlayer_lowered;
	s9 =	simm.s32 $_tile_overlayer_lowered  }
0x9e: {  	s22 =	simm.s32 $0x1BFF;
	s21 =	sshll.u32 s9, $0x1;
	s6 =	sadd.s32 s7, s19  }
0x9f: {  	s10 =	simm.s32 $0x0;
	s20 =	sshll.u32 s8, $0x1;
	s8 =	sadd.s32 s21, s6  }
0xa0: {  	[timem:s10], [sflag:s22] =	dma.local [hbm:s8], s20  }
0xa1: {  	_ =	swait.ge [sflag:s22], s20  }
0xa2: {  	s7 =	ssub.s32 $0x0, s20;
	[sflag:s22] =	ssyncset.done $0x0  }
0xa3: {  	[sflag:s22] =	ssyncadd.s32 s7;
	_ =	sdelay $0x1  }
0xa4: {  	s23 =	simm.s32 $0x1B8B  }
0xa5: {  	_ =	swait.ge [sflag:s23], $0x1  }
0xa6: {  	[sflag:s23] =	ssyncset.done $0x0  }
0xa7: {  	s25 =	simm.s32 $0x1B8E;
	s24 =	sld [smem:$0x3FFE];
	[sflag:s23] =	ssyncadd.s32 $0xFFFFFFFF  }
0xa8: {  	s26 =	simm.s32 $execute0_lowered;
	[smem:$0x3FD2] =	sst s25  }
0xa9: {  	s8 =	sshll.u32 s26, $0x1;
	_ =	strace $0x80000046;
	[dreg:$0x1] =	wrdreg $0xFFFFFFFF  }
0xaa: {  	s28 =	simm.s32 $_size_execute0_lowered;
	s6 =	sadd.s32 s6, s8;
	[dreg:$0x0] =	wrdreg $0x0  }
0xab: {  	s8 =	sshll.u32 s28, $0x1;
	[dreg:$0x2] =	wrdreg s6  }
0xac: {  	[dreg:$0x3] =	wrdreg s8  }
0xad: {  	[dreg:$0x4] =	wrdreg $0xC0  }
0xae: {  	_ =	task [dreg:s10], $0x5FFFF  }
0xaf: {  	[dreg:$0x1] =	wrdreg $0xFFFFFFFF  }
0xb0: {  	[dreg:$0x0] =	wrdreg $0x60  }
0xb1: {  	[dreg:$0x2] =	wrdreg s24  }
0xb2: {  	[dreg:$0x3] =	wrdreg s2  }
0xb3: {  	[dreg:$0x4] =	wrdreg s18  }
0xb4: {  	[dreg:$0x5] =	wrdreg s4  }
0xb5: {  	[dreg:$0x6] =	wrdreg s5  }
0xb6: {  	[dreg:$0x7] =	wrdreg $0x1E3000  }
0xb7: {  	[dreg:$0x8] =	wrdreg $0x9  }
0xb8: {  	_ =	task.clear_ibuf [dreg:s10], $0x9FFFF;
	_ =	strace $0x90000046  }
0xb9: {  	s29 =	simm.s32 $0x9;
	_ =	strace $0x80000048  }
0xba: {  	_ =	swait.ge [sflag:s29], $0x1  }
0xbb: {  	[sflag:s29] =	ssyncadd.s32 $0xFFFFFFFF  }
0xbc: {  	_ =	strace $0x90000048  }
0xbd: {  	_ =	sfence  }
0xbe: {  	s30 =	sld [smem:$0x0];
	_ =	sdelay $0x2  }
0xbf: {  	s31 =	sshll.u32 s1, $0xD;
	s1 =	sshrl.u32 s1, $0x2  }
0xc0: {  	s3 =	sand.u32 $0x4000, s31;
	s1 =	sadd.s32 s1, s30  }
0xc1: {  	s0 =	sor.u32 s3, s0;
	s1 =	sshll.u32 s1, $0x11  }
0xc2: {  	s0 =	sor.u32 s1, s0  }
0xc3: {  	s0 =	sadd.s32 $0x8F2B, s0  }
0xc4: {  	[sflag:s0] =	ssyncadd.remote.s32 $0x1  }
0xc5: {  	_ =	sfence.sel $0xFFFF  }
0xc6: {  	[dreg:$0x0] =	wrdreg $0xFFFFFFFF;
	(pc) =	sbr.abs _section_cstart, $3  }
0xc7: {  	[dreg:$0x1] =	wrdreg $0xFFFFFFFF  }
0xc8: {  	_ =	task.clear_ibuf [dreg:s10], $0x2FFFF;
	_ =	strace $0x9FFFFFFF  }
0xc9: {  	(tm) =	ssettm $0x7FFFFFFF  }
tec
execute0_lowered:
.L_overlay_start_1:
0x0: {  	(tag) =	ssettag $0x1  }
0x1: {  	s11 =	rddreg [dreg:$0x0]  }
0x2: {  	s2 =	rddreg [dreg:$0x1]  }
0x3: {  	s3 =	rddreg [dreg:$0x2]  }
0x4: {  	s0 =	rddreg [dreg:$0x5]  }
0x5: {  	s1 =	srdreg.scid;
	s10 =	stileid.u32  }
0x6: {  	s7 =	simm.s32 $0x0;
	s12 =	simm.f32 $1.000000000e+00;
	s29 =	simm.s32 $0x5  }
0x7: {  	s30 =	simm.s32 $0x18800;
	s31 =	simm.s32 $0x18C00;
	s1 =	sand.u32 $0x1, s1  }
0x8: {  	s4 =	smul.u32 $0x3100, s10;
	[smem:$0x7FF] =	sst s7;
	s5 =	sshll.u32 s1, $0x7  }
0x9: {  	_ =	strace $0x80000047;
	s6 =	ssub.s32 $0x2, s1;
	s8 =	sshll.u32 s1, $0x4  }
0xa: {  	p0 =	seq.s32 s1, $0x0;
	s4 =	sor.u32 s5, s4;
	s9 =	sshrl.u32 s6, $0x1  }
0xb: {  	s5 =	smul.u32 $0x1880, s10;
	s10 =	sor.u32 s10, s8;
	s12 =	simm.s32 @!p0 $0x0  }
0xc: {  	s4 =	sshrl.u32 s4, $0x3;
	s6 =	ssub.s32 s6, s9;
	s20 =	smul.u32 $0xC3, s10  }
0xd: {  	s21 =	smin.u32 s10, $0xA;
	p0 =	slt.u32 s10, $0xA;
	s10 =	simm.s32 $0xC4  }
0xe: {  	v0 =	vmov s12;
	s12 =	simm.s32 $0x3;
	s4 =	sadd.s32 s4, s11;
	s8 =	sadd.s32 s5, s0  }
0xf: {  	s11 =	simm.s32 $0xC3;
	s10 =	simm.s32 @!p0 $0xC3;
	s9 =	sadd.s32 s21, s20  }
0x10: {  	s11 =	simm.s32 @!p0 $0xC2;
	s20 =	sadd.s32 $0xFFFFFFFF, s10;
	s21 =	sadd.s32 $0xFFFFFFFE, s10  }
0x11: {  	s19 =	sadd.s32 $0x3200, s4;
	s28 =	sadd.s32 $0x1260, s8;
	s4 =	simm.s32 $0x1A480  }
0x12: {  	s22 =	sshll.u32 s9, $0x8;
	s23 =	sshll.u32 s9, $0x7;
	s1 =	sadd.s32 $0x1, s9  }
0x13: {  	s13 =	sadd.s32 $0x2, s9;
	s15 =	sadd.s32 $0x3, s9;
	[dreg:$0xf] =	wrdreg s19  }
0x14: {  	s0 =	sadd.s32 s2, s22;
	s24 =	sshll.u32 s1, $0x8;
	s1 =	sshll.u32 s1, $0x7  }
0x15: {  	s14 =	sshll.u32 s13, $0x8;
	s16 =	sshll.u32 s13, $0x7;
	s17 =	sshll.u32 s15, $0x8  }
0x16: {  	s22 =	smax.u32 s6, $0x1;
	s6 =	simm.s32 $0x1B880;
	[dreg:$0x7] =	wrdreg s0  }
0x17: {  	s0 =	sadd.s32 s3, s23;
	s25 =	sand.u32 $0x1FFFFF80, s1;
	s26 =	sand.u32 $0x1FFFFF00, s14  }
0x18: {  	s1 =	sand.u32 $0x1FFFFF80, s16;
	s13 =	sand.u32 $0x1FFFFF00, s17;
	[dreg:$0x10] =	wrdreg s22  }
0x19: {  	s23 =	sadd.s32 $0x620, s5;
	[dreg:$0x8] =	wrdreg s0;
	s14 =	sadd.s32 s2, s26  }
0x1a: {  	s0 =	sand.u32 $0x1FFFFF00, s24;
	s1 =	sadd.s32 s3, s1;
	[dreg:$0xb] =	wrdreg s14  }
0x1b: {  	s16 =	sadd.s32 $0x1260, s5;
	s0 =	sadd.s32 s2, s0;
	[dreg:$0xc] =	wrdreg s1  }
0x1c: {  	s18 =	sadd.s32 s2, s13;
	[dreg:$0x9] =	wrdreg s0;
	s0 =	sadd.s32 s3, s25  }
0x1d: {  	v1 =	vmov s5;
	[dreg:$0xa] =	wrdreg s0;
	s0 =	sshll.u32 s15, $0x7;
	s15 =	sadd.s32 $0xC40, s5  }
.Ltmp0:
0x1e: {  	s26 =	sadd.s32 $0xC40, s8;
	v2 =	vmov s23;
	v4 =	vmov s16;
	[dreg:$0xd] =	wrdreg s18;
	v3 =	vmov s15;
	(pc) =	sbr.rel .LBB2_1-.Ltmp0, $4  }
0x1f: {  	s24 =	sadd.s32 $0xFFFFFFFD, s10;
	s13 =	simm.s32 $0x4;
	[dreg:$0x12] =	wrdreg s26  }
0x20: {  	s1 =	simm.s32 $0x1;
	s25 =	sadd.s32 $0x620, s8;
	s0 =	sand.u32 $0x1FFFFF80, s0  }
0x21: {  	s14 =	simm.s32 $0x0;
	[dreg:$0x11] =	wrdreg s25;
	s0 =	sadd.s32 s3, s0  }
0x22: {  	s5 =	simm.s32 $0x2;
	[dreg:$0xe] =	wrdreg s0;
	s0 =	simm.s32 $0x1DC80  }
.LBB2_20:
0x23: {  	s15 =	stileid.u32;
	[bflag:$0x0] =	sbarrier.arrive $0xFFFF  }
0x24: {  	s16 =	sshrl.u32 s8, $0x3;
	s18 =	simm.s32 $0x20;
	s15 =	sshll.u32 s15, $0x6  }
0x25: {  	s19 =	simm.s32 $0x10;
	s17 =	rddreg [dreg:$0xf];
	s15 =	sor.u32 $0x1C05, s15  }
0x26: {  	[hbm:s17@s18], [sflag:s15] =	dma.strided [spmem:s16@s19], $0x310, s1, $0x10   }
0x27: {  	_ =	swait.ge [sflag:s29], $0x310  }
0x28: {  	s14 =	sadd.s32 $0x1, s14;
	s26 =	rddreg [dreg:$0x10]  }
0x29: {  	p0 =	sne.s32 s14, s26  }
.Ltmp1:
0x2a: {  	_ = 	snop;
	(pc) =	sbr.rel @!p0 .LBB2_21-.Ltmp1, $3  }
0x2b: {  	_ =	sdelay $0x1  }
0x2c: {  	[sflag:s29] =	ssyncset.done $0x0  }
0x2d: {  	[sflag:s29] =	ssyncadd.s32 $0xFFFFFCF0  }
.LBB2_1:
0x2e: {  	s15 =	rddreg [dreg:$0x0]  }
0x2f: {  	[tilespmem:s7], [sflag:$0x5] =	stream.linear.gather [hbm4b:s15+s7], $0x18800, $0x38;
	[tilespmem:$0x1FB80] =	vst v63  }
0x30: {  	_ =	swait.ge [sflag:s29], $0x18800  }
0x31: {  	[sflag:s29] =	ssyncset.done $0x0  }
0x32: {  	[sflag:s29] =	ssyncadd.s32 $0xFFFE7800  }
0x33: {  	s25 =	rddreg [dreg:$0x3]  }
0x34: {  	[tilespmem:s30], [sflag:$0x5] =	stream.linear.gather [hbm4b:s25+s7], $0x400, $0x38;
	[tilespmem:$0x1FB80] =	vst v63  }
0x35: {  	_ =	swait.ge [sflag:s29], $0x400  }
0x36: {  	[sflag:s29] =	ssyncset.done $0x0  }
0x37: {  	[sflag:s29] =	ssyncadd.s32 $0xFFFFFC00  }
0x38: {  	s26 =	rddreg [dreg:$0x4]  }
0x39: {  	[tilespmem:s31], [sflag:$0x5] =	stream.linear.gather [hbm4b:s26+s7], $0x80, $0x38;
	[tilespmem:$0x1FB80] =	vst v63  }
0x3a: {  	_ =	swait.ge [sflag:s29], $0x80  }
0x3b: {  	[sflag:s29] =	ssyncset.done $0x0  }
0x3c: {  	s16 =	simm.s32 $0x40;
	s15 =	simm.s32 $0x0;
	[sflag:s29] =	ssyncadd.s32 $0xFFFFFF80  }
.LBB2_2:
0x3d: {  	p0 =	sne.s32 s16, $0x1840;
	v5 =	vld.idx.msk [tilespmem:v1+s15+$0x0 ss:$0x1], $0xffff;
	_ =	sdelay $0x5  }
0x3e: {  	v5 =	vand.u32 $0xF, v5;
	_ =	sdelay $0x4  }
0x3f: {  	v5 =	vld.idx.msk [tilespmem:v5+s31+$0x0], $0xffff;
	_ =	sdelay $0x3  }
.Ltmp2:
0x40: {  	(pc) =	sbr.rel @p0 .LBB2_2-.Ltmp2, $3  }
0x41: {  	_ = 	snop  }
0x42: {  	v5 =	vmul.f32 v5, v0;
	_ =	sdelay $0x1  }
0x43: {  	[tilespmem:s15+$0x1DC80] =	vst v5;
	s15 =	sshra.s32 s16, $0x2;
	s16 =	sadd.s32 $0x40, s16  }
0x44: {  	_ =	sdelay $0x3  }
0x45: {  	v5 =	vld.idx.msk [tilespmem:v1+s15+$0x0 ss:$0x1], $0xffff;
	_ =	sdelay $0x4  }
0x46: {  	v5 =	vand.u32 $0xF, v5;
	_ =	sdelay $0x4  }
0x47: {  	v5 =	vld.idx.msk [tilespmem:v5+s31+$0x0], $0xffff;
	_ =	sdelay $0x4  }
0x48: {  	v5 =	vmul.f32 v5, v0;
	_ =	sdelay $0x1  }
0x49: {  	[tilespmem:s15+$0x1DC80] =	vst v5  }
0x4a: {  	[spmem:s8] =	stream.linear.scatter [tilespmem:s0], [sflag:$0x5], $0x620, $0x38;
	[tilespmem:$0x1FB80] =	vst v63  }
0x4b: {  	_ =	swait.ge [sflag:s29], $0x620  }
0x4c: {  	[sflag:s29] =	ssyncset.done $0x0  }
0x4d: {  	s16 =	simm.s32 $0x40;
	s15 =	simm.s32 $0x0;
	[sflag:s29] =	ssyncadd.s32 $0xFFFFF9E0  }
.LBB2_4:
0x4e: {  	p0 =	sne.s32 s16, $0x1840;
	v5 =	vld.idx.msk [tilespmem:v2+s15+$0x0 ss:$0x1], $0xffff;
	_ =	sdelay $0x5  }
0x4f: {  	v5 =	vand.u32 $0xF, v5;
	_ =	sdelay $0x4  }
0x50: {  	v5 =	vld.idx.msk [tilespmem:v5+s31+$0x0], $0xffff;
	_ =	sdelay $0x3  }
.Ltmp3:
0x51: {  	(pc) =	sbr.rel @p0 .LBB2_4-.Ltmp3, $3  }
0x52: {  	_ = 	snop  }
0x53: {  	v5 =	vmul.f32 v5, v0;
	_ =	sdelay $0x1  }
0x54: {  	[tilespmem:s15+$0x1DC80] =	vst v5;
	s15 =	sshra.s32 s16, $0x2;
	s16 =	sadd.s32 $0x40, s16  }
0x55: {  	_ =	sdelay $0x3  }
0x56: {  	v5 =	vld.idx.msk [tilespmem:v2+s15+$0x0 ss:$0x1], $0xffff;
	_ =	sdelay $0x4  }
0x57: {  	v5 =	vand.u32 $0xF, v5;
	_ =	sdelay $0x4  }
0x58: {  	v5 =	vld.idx.msk [tilespmem:v5+s31+$0x0], $0xffff;
	_ =	sdelay $0x4  }
0x59: {  	v5 =	vmul.f32 v5, v0;
	_ =	sdelay $0x1  }
0x5a: {  	s26 =	rddreg [dreg:$0x11];
	[tilespmem:s15+$0x1DC80] =	vst v5  }
0x5b: {  	[spmem:s26] =	stream.linear.scatter [tilespmem:s0], [sflag:$0x5], $0x620, $0x38;
	[tilespmem:$0x1FB80] =	vst v63  }
0x5c: {  	_ =	swait.ge [sflag:s29], $0x620  }
0x5d: {  	[sflag:s29] =	ssyncset.done $0x0  }
0x5e: {  	s16 =	simm.s32 $0x40;
	s15 =	simm.s32 $0x0;
	[sflag:s29] =	ssyncadd.s32 $0xFFFFF9E0  }
.LBB2_6:
0x5f: {  	p0 =	sne.s32 s16, $0x1840;
	v5 =	vld.idx.msk [tilespmem:v3+s15+$0x0 ss:$0x1], $0xffff;
	_ =	sdelay $0x5  }
0x60: {  	v5 =	vand.u32 $0xF, v5;
	_ =	sdelay $0x4  }
0x61: {  	v5 =	vld.idx.msk [tilespmem:v5+s31+$0x0], $0xffff;
	_ =	sdelay $0x3  }
.Ltmp4:
0x62: {  	(pc) =	sbr.rel @p0 .LBB2_6-.Ltmp4, $3  }
0x63: {  	_ = 	snop  }
0x64: {  	v5 =	vmul.f32 v5, v0;
	_ =	sdelay $0x1  }
0x65: {  	[tilespmem:s15+$0x1DC80] =	vst v5;
	s15 =	sshra.s32 s16, $0x2;
	s16 =	sadd.s32 $0x40, s16  }
0x66: {  	_ =	sdelay $0x3  }
0x67: {  	v5 =	vld.idx.msk [tilespmem:v3+s15+$0x0 ss:$0x1], $0xffff;
	_ =	sdelay $0x4  }
0x68: {  	v5 =	vand.u32 $0xF, v5;
	_ =	sdelay $0x4  }
0x69: {  	v5 =	vld.idx.msk [tilespmem:v5+s31+$0x0], $0xffff;
	_ =	sdelay $0x4  }
0x6a: {  	v5 =	vmul.f32 v5, v0;
	_ =	sdelay $0x1  }
0x6b: {  	s26 =	rddreg [dreg:$0x12];
	[tilespmem:s15+$0x1DC80] =	vst v5  }
0x6c: {  	[spmem:s26] =	stream.linear.scatter [tilespmem:s0], [sflag:$0x5], $0x620, $0x38;
	[tilespmem:$0x1FB80] =	vst v63  }
0x6d: {  	_ =	swait.ge [sflag:s29], $0x620  }
0x6e: {  	[sflag:s29] =	ssyncset.done $0x0  }
0x6f: {  	s16 =	simm.s32 $0x40;
	s15 =	simm.s32 $0x0;
	[sflag:s29] =	ssyncadd.s32 $0xFFFFF9E0  }
.LBB2_8:
0x70: {  	p0 =	sne.s32 s16, $0x1840;
	v5 =	vld.idx.msk [tilespmem:v4+s15+$0x0 ss:$0x1], $0xffff;
	_ =	sdelay $0x5  }
0x71: {  	v5 =	vand.u32 $0xF, v5;
	_ =	sdelay $0x4  }
0x72: {  	v5 =	vld.idx.msk [tilespmem:v5+s31+$0x0], $0xffff;
	_ =	sdelay $0x3  }
.Ltmp5:
0x73: {  	(pc) =	sbr.rel @p0 .LBB2_8-.Ltmp5, $3  }
0x74: {  	_ = 	snop  }
0x75: {  	v5 =	vmul.f32 v5, v0;
	_ =	sdelay $0x1  }
0x76: {  	[tilespmem:s15+$0x1DC80] =	vst v5;
	s15 =	sshra.s32 s16, $0x2;
	s16 =	sadd.s32 $0x40, s16  }
0x77: {  	_ =	sdelay $0x3  }
0x78: {  	v5 =	vld.idx.msk [tilespmem:v4+s15+$0x0 ss:$0x1], $0xffff;
	_ =	sdelay $0x4  }
0x79: {  	v5 =	vand.u32 $0xF, v5;
	_ =	sdelay $0x4  }
0x7a: {  	v5 =	vld.idx.msk [tilespmem:v5+s31+$0x0], $0xffff;
	_ =	sdelay $0x4  }
0x7b: {  	v5 =	vmul.f32 v5, v0;
	_ =	sdelay $0x1  }
0x7c: {  	[tilespmem:s15+$0x1DC80] =	vst v5  }
0x7d: {  	[spmem:s28] =	stream.linear.scatter [tilespmem:s0], [sflag:$0x5], $0x620, $0x38;
	[tilespmem:$0x1FB80] =	vst v63  }
0x7e: {  	_ =	swait.ge [sflag:s29], $0x620  }
0x7f: {  	[sflag:s29] =	ssyncset.done $0x0  }
0x80: {  	[sflag:s29] =	ssyncadd.s32 $0xFFFFF9E0  }
0x81: {  	[bflag:$0x0] =	sbarrier.arrive $0xFFFF  }
0x82: {  	s17 =	simm.s32 $0x18C80;
	s15 =	simm.s32 $0x0;
	s16 =	rddreg [dreg:$0x7]  }
0x83: {  	[tilespmem:s17], [sflag:$0x1] =	stream.linear.gather [hbm4b:s16+s15], $0x800, $0x38;
	[tilespmem:$0x1FB80] =	vst v63  }
0x84: {  	s19 =	simm.s32 $0x1AC80;
	s18 =	rddreg [dreg:$0x8]  }
0x85: {  	[tilespmem:s19], [sflag:$0x1] =	stream.linear.gather [hbm4b:s18+s15], $0x400, $0x38;
	[tilespmem:$0x1FB80] =	vst v63  }
0x86: {  	s23 =	simm.s32 $0x19480;
	s22 =	rddreg [dreg:$0x9]  }
0x87: {  	[tilespmem:s23], [sflag:$0x2] =	stream.linear.gather [hbm4b:s22+s15], $0x800, $0x38;
	[tilespmem:$0x1FB80] =	vst v63  }
0x88: {  	s26 =	simm.s32 $0x1B080;
	s25 =	rddreg [dreg:$0xa]  }
0x89: {  	[tilespmem:s26], [sflag:$0x2] =	stream.linear.gather [hbm4b:s25+s15], $0x400, $0x38;
	[tilespmem:$0x1FB80] =	vst v63  }
0x8a: {  	s18 =	rddreg [dreg:$0xb];
	s19 =	simm.s32 $0x19C80  }
0x8b: {  	[tilespmem:s19], [sflag:$0x3] =	stream.linear.gather [hbm4b:s18+s15], $0x800, $0x38;
	[tilespmem:$0x1FB80] =	vst v63  }
0x8c: {  	s22 =	rddreg [dreg:$0xc];
	s23 =	simm.s32 $0x1B480  }
0x8d: {  	[tilespmem:s23], [sflag:$0x3] =	stream.linear.gather [hbm4b:s22+s15], $0x400, $0x38;
	[tilespmem:$0x1FB80] =	vst v63  }
0x8e: {  	s25 =	rddreg [dreg:$0xd]  }
0x8f: {  	[tilespmem:s4], [sflag:$0x4] =	stream.linear.gather [hbm4b:s25+s15], $0x800, $0x38;
	[tilespmem:$0x1FB80] =	vst v63  }
0x90: {  	s26 =	rddreg [dreg:$0xe]  }
0x91: {  	[tilespmem:s6], [sflag:$0x4] =	stream.linear.gather [hbm4b:s26+s15], $0x400, $0x38;
	[tilespmem:$0x1FB80] =	vst v63  }
.LBB2_10:
0x92: {  	_ =	swait.ge [sflag:s1], $0x800  }
0x93: {  	[sflag:s1] =	ssyncset.done $0x0  }
0x94: {  	[sflag:s1] =	ssyncadd.s32 $0xFFFFF800  }
0x95: {  	_ =	swait.ge [sflag:s1], $0x400  }
0x96: {  	[sflag:s1] =	ssyncset.done $0x0  }
0x97: {  	s16 =	simm.s32 $0x18D00;
	[sflag:s1] =	ssyncadd.s32 $0xFFFFFC00  }
0x98: {  	v5 =	vld [tilespmem:s16+$0xFFFFFFF0]  }
0x99: {  	v15 =	vld [tilespmem:s16+$0x70]  }
0x9a: {  	v6 =	vld [tilespmem:s16+$0xFFFFFF90]  }
0x9b: {  	v7 =	vld [tilespmem:s16+$0xFFFFFFA0]  }
0x9c: {  	v8 =	vld [tilespmem:s16+$0xFFFFFFB0]  }
0x9d: {  	v9 =	vld [tilespmem:s16+$0xFFFFFFC0]  }
0x9e: {  	v10 =	vld [tilespmem:s16+$0xFFFFFFD0]  }
0x9f: {  	v11 =	vld [tilespmem:s16+$0xFFFFFFE0]  }
0xa0: {  	s17 =	simm.s32 $0x1ACC0;
	v14 =	vld [tilespmem:s16+$0xFFFFFF80]  }
0xa1: {  	v16 =	vld [tilespmem:s17+$0x30]  }
0xa2: {  	v17 =	vld [tilespmem:s16+$0x0]  }
0xa3: {  	v13 =	vld [tilespmem:s16+$0x10]  }
0xa4: {  	v21 =	vld [tilespmem:s16+$0x20]  }
0xa5: {  	v20 =	vld [tilespmem:s16+$0x30]  }
0xa6: {  	v19 =	vld [tilespmem:s16+$0x40]  }
0xa7: {  	v24 =	vld [tilespmem:s17+$0xFFFFFFE0]  }
0xa8: {  	v36 =	vld [tilespmem:s17+$0xFFFFFFF0]  }
0xa9: {  	v37 =	vld [tilespmem:s17+$0x0]  }
0xaa: {  	v38 =	vld [tilespmem:s17+$0x10]  }
0xab: {  	s18 =	simm.s32 $0x18E00;
	v39 =	vld [tilespmem:s17+$0x20]  }
0xac: {  	v43 =	vld [tilespmem:s18+$0x70]  }
0xad: {  	v44 =	vld [tilespmem:s18+$0xFFFFFFB0]  }
0xae: {  	v45 =	vld [tilespmem:s18+$0xFFFFFFC0]  }
0xaf: {  	v46 =	vld [tilespmem:s18+$0xFFFFFFD0]  }
0xb0: {  	v47 =	vld [tilespmem:s18+$0xFFFFFFE0]  }
0xb1: {  	v49 =	vld [tilespmem:s18+$0xFFFFFF80]  }
0xb2: {  	v26 =	vld [tilespmem:s18+$0x0]  }
0xb3: {  	v12 =	vld.idx.msk [tilespmem:v5+s7+$0x0], $0xffff  }
0xb4: {  	v5 =	vld.idx.msk [tilespmem:v15+s7+$0x0], $0xffff  }
0xb5: {  	v14 =	vld.idx.msk [tilespmem:v14+s7+$0x0], $0xffff  }
0xb6: {  	v22 =	vld.idx.msk [tilespmem:v6+s7+$0x0], $0xffff  }
0xb7: {  	v23 =	vld.idx.msk [tilespmem:v7+s7+$0x0], $0xffff  }
0xb8: {  	v28 =	vld.idx.msk [tilespmem:v8+s7+$0x0], $0xffff  }
0xb9: {  	v29 =	vld.idx.msk [tilespmem:v9+s7+$0x0], $0xffff  }
0xba: {  	v30 =	vld.idx.msk [tilespmem:v10+s7+$0x0], $0xffff;
	v18 =	vshll.u32 v12, $0x2  }
0xbb: {  	v31 =	vld.idx.msk [tilespmem:v11+s7+$0x0], $0xffff;
	v5 =	vshll.u32 v5, $0x6;
	v18 =	vand.u32 $0x3C, v18  }
0xbc: {  	v6 =	vld.idx.msk [tilespmem:v13+s7+$0x0], $0xffff;
	v5 =	vand.u32 $0x3C0, v5;
	v16 =	vor.u32 v16, v18  }
0xbd: {  	v7 =	vld.idx.msk [tilespmem:v21+s7+$0x0], $0xffff;
	v5 =	vor.u32 v5, v16  }
0xbe: {  	v8 =	vld [tilespmem:s17+$0xFFFFFFC0]  }
0xbf: {  	v9 =	vld [tilespmem:s17+$0xFFFFFFD0]  }
0xc0: {  	v32 =	vld.idx.msk [tilespmem:v20+s7+$0x0], $0xffff  }
0xc1: {  	v18 =	vld [tilespmem:s16+$0x50]  }
0xc2: {  	v10 =	vshll.u32 v14, $0x2;
	v27 =	vld.idx.msk [tilespmem:v5+s30+$0x0], $0xffff  }
0xc3: {  	v10 =	vand.u32 $0x3C, v10;
	v5 =	vld.idx.msk [tilespmem:v17+s7+$0x0], $0xffff  }
0xc4: {  	v8 =	vor.u32 v8, v10;
	v10 =	vld [tilespmem:s18+$0xFFFFFF90]  }
0xc5: {  	v16 =	vld [tilespmem:s16+$0x60]  }
0xc6: {  	v33 =	vld.idx.msk [tilespmem:v19+s7+$0x0], $0xffff  }
0xc7: {  	v49 =	vld.idx.msk [tilespmem:v49+s7+$0x0], $0xffff  }
0xc8: {  	v59 =	vld.idx.msk [tilespmem:v45+s7+$0x0], $0xffff;
	v11 =	vshll.u32 v22, $0x2;
	v5 =	vshll.u32 v5, $0x6  }
0xc9: {  	v45 =	vld.idx.msk [tilespmem:v46+s7+$0x0], $0xffff;
	v25 =	vshll.u32 v23, $0x2;
	v6 =	vshll.u32 v6, $0x6;
	v5 =	vand.u32 $0x3C0, v5  }
0xca: {  	v46 =	vld.idx.msk [tilespmem:v47+s7+$0x0], $0xffff;
	v7 =	vshll.u32 v7, $0x6;
	v12 =	vand.u32 $0xFFFFFFF0, v12;
	v5 =	vor.u32 v5, v8  }
0xcb: {  	v51 =	vshll.u32 v28, $0x2;
	v57 =	vshll.u32 v29, $0x2;
	v32 =	vshll.u32 v32, $0x6;
	v34 =	vld.idx.msk [tilespmem:v18+s7+$0x0], $0xffff  }
0xcc: {  	v33 =	vshll.u32 v33, $0x6;
	v11 =	vand.u32 $0x3C, v11;
	v25 =	vand.u32 $0x3C, v25;
	v52 =	vld.idx.msk [tilespmem:v10+s7+$0x0], $0xffff  }
0xcd: {  	v6 =	vand.u32 $0x3C0, v6;
	v7 =	vand.u32 $0x3C0, v7;
	v32 =	vand.u32 $0x3C0, v32;
	v35 =	vld.idx.msk [tilespmem:v16+s7+$0x0], $0xffff  }
0xce: {  	v33 =	vand.u32 $0x3C0, v33;
	v12 =	vmul.f32 v12, v27;
	v8 =	vor.u32 v9, v11;
	v11 =	vld [tilespmem:s18+$0xFFFFFFA0]  }
0xcf: {  	v27 =	vand.u32 $0xFFFFFFF0, v28;
	v28 =	vand.u32 $0x3C, v51;
	v51 =	vand.u32 $0x3C, v57;
	v40 =	vld.idx.msk [tilespmem:v5+s30+$0x0], $0xffff  }
0xd0: {  	v28 =	vor.u32 v36, v28;
	v37 =	vor.u32 v37, v51;
	v6 =	vor.u32 v6, v8;
	v5 =	vld [tilespmem:s18+$0xFFFFFFF0]  }
0xd1: {  	v28 =	vor.u32 v32, v28;
	v32 =	vor.u32 v33, v37;
	v33 =	vld.idx.msk [tilespmem:v26+s7+$0x0], $0xffff;
	v8 =	vor.u32 v24, v25  }
0xd2: {  	v25 =	vld [tilespmem:s18+$0x10];
	v7 =	vor.u32 v7, v8  }
0xd3: {  	s17 =	simm.s32 $0x1AD40;
	v24 =	vld [tilespmem:s18+$0x20]  }
0xd4: {  	v8 =	vld [tilespmem:s17+$0x30]  }
0xd5: {  	v41 =	vld.idx.msk [tilespmem:v6+s30+$0x0], $0xffff  }
0xd6: {  	v6 =	vld [tilespmem:s18+$0x30]  }
0xd7: {  	v42 =	vld.idx.msk [tilespmem:v7+s30+$0x0], $0xffff  }
0xd8: {  	v14 =	vand.u32 $0xFFFFFFF0, v14;
	v48 =	vld.idx.msk [tilespmem:v5+s7+$0x0], $0xffff  }
0xd9: {  	v22 =	vand.u32 $0xFFFFFFF0, v22;
	v23 =	vand.u32 $0xFFFFFFF0, v23;
	v58 =	vshll.u32 v31, $0x2;
	v5 =	vld.idx.msk [tilespmem:v43+s7+$0x0], $0xffff  }
0xda: {  	s23 =	simm.s32 $0x1BCC0;
	v10 =	vand.u32 $0xFFFFFFF0, v29;
	v36 =	vand.u32 $0x3C, v58;
	v34 =	vshll.u32 v34, $0x6;
	v29 =	vld.idx.msk [tilespmem:v11+s7+$0x0], $0xffff  }
0xdb: {  	[tilespmem:s23+$0x30] =	vst v15;
	v60 =	vor.u32 v39, v36;
	v15 =	vand.u32 $0xFFFFFFF0, v52;
	v35 =	vshll.u32 v35, $0x6;
	v37 =	vld.idx.msk [tilespmem:v25+s7+$0x0], $0xffff  }
0xdc: {  	v34 =	vand.u32 $0x3C0, v34;
	v35 =	vand.u32 $0x3C0, v35;
	v33 =	vshll.u32 v33, $0x6;
	v36 =	vld.idx.msk [tilespmem:v24+s7+$0x0], $0xffff  }
0xdd: {  	v56 =	vld [tilespmem:s17+$0xFFFFFFC0];
	[tilespmem:s23+$0xFFFFFFE0] =	vst v21;
	v21 =	vand.u32 $0xFFFFFFF0, v59;
	v11 =	vand.u32 $0xFFFFFFF0, v30;
	v7 =	vshll.u32 v48, $0x2  }
0xde: {  	s16 =	sshll.u32 s15, $0x2;
	v58 =	vld [tilespmem:s17+$0xFFFFFFD0];
	v14 =	vmul.f32 v14, v40;
	v5 =	vshll.u32 v5, $0x6;
	v9 =	vand.u32 $0x3C, v7  }
0xdf: {  	s19 =	simm.f32 $1.000000000e+00;
	p0 =	slt.u32 s16, s10;
	v54 =	vld.idx.msk [tilespmem:v28+s30+$0x0], $0xffff;
	v22 =	vmul.f32 v22, v41;
	v50 =	vand.u32 $0x3C0, v5;
	v9 =	vor.u32 v8, v9  }
0xe0: {  	s19 =	simm.s32 @!p0 $0x0;
	[tilespmem:s23+$0xFFFFFFC0] =	vst v17;
	v23 =	vmul.f32 v23, v42;
	v17 =	vand.u32 $0xFFFFFFF0, v29;
	v39 =	vld.idx.msk [tilespmem:v6+s7+$0x0], $0xffff;
	v50 =	vor.u32 v50, v9  }
0xe1: {  	v37 =	vshll.u32 v37, $0x6;
	v36 =	vshll.u32 v36, $0x6;
	v7 =	vld [tilespmem:s18+$0x40];
	v5 =	vmov s19  }
0xe2: {  	v48 =	vand.u32 $0xFFFFFFF0, v48;
	v8 =	vld [tilespmem:s18+$0x50];
	v53 =	vmul.f32 v12, v5;
	v61 =	vmul.f32 v14, v5  }
0xe3: {  	v12 =	vshll.u32 v30, $0x2;
	v62 =	vmul.f32 v22, v5;
	v23 =	vmul.f32 v23, v5;
	v9 =	vld [tilespmem:s18+$0x60]  }
0xe4: {  	[tilespmem:s23+$0xFFFFFFD0] =	vst v13;
	v22 =	vshll.u32 v49, $0x2;
	v30 =	vand.u32 $0x3C, v12;
	v12 =	vand.u32 $0xFFFFFFF0, v31;
	v31 =	vld.idx.msk [tilespmem:v44+s7+$0x0], $0xffff;
	s18 =	simm.s32 $0x1CCC0  }
0xe5: {  	v63 =	vand.u32 $0x3C, v22;
	v22 =	vshll.u32 v52, $0x2;
	v30 =	vor.u32 v38, v30;
	[tilespmem:s18+$0xFFFFFFC0] =	vst v61;
	v50 =	vld.idx.msk [tilespmem:v50+s30+$0x0], $0xffff  }
0xe6: {  	v52 =	vld [tilespmem:s17+$0x0];
	v47 =	vand.u32 $0x3C, v22;
	v22 =	vshll.u32 v29, $0x2;
	[tilespmem:s18+$0xFFFFFFE0] =	vst v23;
	v23 =	vand.u32 $0x3C0, v33  }
0xe7: {  	[tilespmem:s18+$0xFFFFFFD0] =	vst v62;
	v61 =	vand.u32 $0x3C0, v37;
	v62 =	vor.u32 v56, v63;
	v63 =	vld [tilespmem:s17+$0x10];
	v30 =	vor.u32 v34, v30  }
0xe8: {  	v34 =	vor.u32 v35, v60;
	v57 =	vand.u32 $0x3C, v22;
	v22 =	vshll.u32 v59, $0x2;
	v59 =	vld [tilespmem:s17+$0xFFFFFFE0]  }
0xe9: {  	v60 =	vshll.u32 v45, $0x2;
	v35 =	vand.u32 $0x3C, v22;
	v22 =	vand.u32 $0xFFFFFFF0, v45;
	v45 =	vld [tilespmem:s17+$0xFFFFFFF0]  }
0xea: {  	v37 =	vor.u32 v23, v62;
	v23 =	vor.u32 v58, v47;
	v40 =	vld.idx.msk [tilespmem:v7+s7+$0x0], $0xffff;
	v29 =	vmul.f32 v48, v50  }
0xeb: {  	[tilespmem:s23+$0xFFFFFFF0] =	vst v20;
	v14 =	vand.u32 $0xFFFFFFF0, v49;
	v38 =	vand.u32 $0x3C, v60;
	v33 =	vor.u32 v61, v23;
	v42 =	vld.idx.msk [tilespmem:v8+s7+$0x0], $0xffff  }
0xec: {  	s22 =	simm.s32 $0x1BD40;
	[tilespmem:s18+$0x30] =	vst v53;
	v55 =	vshll.u32 v31, $0x2;
	v13 =	vand.u32 $0xFFFFFFF0, v31;
	v49 =	vld.idx.msk [tilespmem:v9+s7+$0x0], $0xffff;
	v29 =	vmul.f32 v29, v5  }
0xed: {  	s19 =	simm.s32 $0x1CD40;
	[tilespmem:s22+$0x30] =	vst v43;
	v35 =	vor.u32 v52, v35;
	v31 =	vand.u32 $0x3C, v55;
	v55 =	vshll.u32 v46, $0x2;
	v50 =	vld [tilespmem:s17+$0x20]  }
0xee: {  	v63 =	vor.u32 v63, v38;
	v53 =	vor.u32 v59, v57;
	[tilespmem:s19+$0x30] =	vst v29;
	v29 =	vand.u32 $0x3C0, v36  }
0xef: {  	v28 =	vld.idx.msk [tilespmem:v32+s30+$0x0], $0xffff;
	[tilespmem:s23+$0x0] =	vst v19;
	v57 =	vshll.u32 v39, $0x6;
	v58 =	vshll.u32 v40, $0x6;
	v20 =	vor.u32 v29, v53  }
0xf0: {  	v56 =	vand.u32 $0x3C, v55;
	v19 =	vand.u32 $0x3C0, v57;
	v59 =	vand.u32 $0x3C0, v58;
	v29 =	vld.idx.msk [tilespmem:v30+s30+$0x0], $0xffff;
	[tilespmem:s23+$0x10] =	vst v18  }
0xf1: {  	v60 =	vshll.u32 v42, $0x6;
	v62 =	vshll.u32 v49, $0x6;
	v30 =	vld.idx.msk [tilespmem:v34+s30+$0x0], $0xffff;
	v18 =	vor.u32 v45, v31;
	[tilespmem:s23+$0x20] =	vst v16  }
0xf2: {  	v31 =	vld.idx.msk [tilespmem:v37+s30+$0x0], $0xffff;
	[tilespmem:s22+$0xFFFFFFC0] =	vst v26;
	v32 =	vor.u32 v50, v56;
	v18 =	vor.u32 v19, v18;
	v19 =	vand.u32 $0x3C0, v62  }
0xf3: {  	v61 =	vand.u32 $0x3C0, v60;
	v16 =	vor.u32 v59, v35;
	v26 =	vld.idx.msk [tilespmem:v33+s30+$0x0], $0xffff;
	[tilespmem:s22+$0xFFFFFFD0] =	vst v25;
	v19 =	vor.u32 v19, v32  }
0xf4: {  	s25 =	simm.s32 $0x8;
	s26 =	simm.s32 $0x18F00;
	v23 =	vand.u32 $0xFFFFFFF0, v46;
	s23 =	simm.s32 $0x1BD40;
	v25 =	vld.idx.msk [tilespmem:v20+s30+$0x0], $0xffff;
	v20 =	vor.u32 v61, v63;
	[tilespmem:s22+$0xFFFFFFE0] =	vst v24;
	v24 =	vmul.f32 v27, v54  }
.LBB2_11:
0xf5: {  	v27 =	vld [tilespmem:s26+$0xFFFFFFF0];
	s25 =	sadd.s32 $0x8, s25;
	v28 =	vmul.f32 v10, v28;
	v10 =	vmov v21  }
0xf6: {  	v32 =	vld [tilespmem:s26+$0x70];
	p0 =	slt.u32 s25, $0x38;
	v21 =	vmul.f32 v24, v5;
	v24 =	vmul.f32 v11, v29;
	v11 =	vmov v22  }
0xf7: {  	v29 =	vmul.f32 v12, v30;
	v12 =	vmov v23;
	v22 =	vld [tilespmem:s26+$0xFFFFFF90];
	v28 =	vmul.f32 v28, v5  }
0xf8: {  	v14 =	vmul.f32 v14, v31;
	v23 =	vld [tilespmem:s26+$0xFFFFFFA0];
	[tilespmem:s18+$0xFFFFFFF0] =	vst v21;
	v21 =	vmul.f32 v24, v5  }
0xf9: {  	v15 =	vmul.f32 v15, v26;
	v24 =	vmul.f32 v29, v5;
	v30 =	vld [tilespmem:s26+$0xFFFFFFB0];
	[tilespmem:s18+$0x0] =	vst v28  }
0xfa: {  	v14 =	vmul.f32 v14, v5;
	v17 =	vmul.f32 v17, v25;
	v28 =	vld [tilespmem:s26+$0xFFFFFFC0];
	[tilespmem:s18+$0x10] =	vst v21  }
0xfb: {  	v15 =	vmul.f32 v15, v5;
	v21 =	vld [tilespmem:s26+$0xFFFFFFD0];
	[tilespmem:s18+$0x20] =	vst v24;
	s18 =	smov.u32 s19  }
0xfc: {  	v29 =	vld [tilespmem:s26+$0xFFFFFFE0];
	[tilespmem:s19+$0xFFFFFFC0] =	vst v14;
	v14 =	vmul.f32 v17, v5  }
0xfd: {  	v17 =	vld.idx.msk [tilespmem:v27+s7+$0x0], $0xffff;
	[tilespmem:s19+$0xFFFFFFD0] =	vst v15  }
0xfe: {  	v15 =	vld.idx.msk [tilespmem:v32+s7+$0x0], $0xffff;
	[tilespmem:s19+$0xFFFFFFE0] =	vst v14  }
0xff: {  	s17 =	sadd.s32 $0x80, s17;
	v14 =	vld [tilespmem:s26+$0xFFFFFF80]  }
0x100: {  	v27 =	vld [tilespmem:s17+$0x30]  }
0x101: {  	v26 =	vld [tilespmem:s26+$0x0]  }
0x102: {  	v25 =	vld [tilespmem:s26+$0x10]  }
0x103: {  	v31 =	vshll.u32 v17, $0x2;
	v24 =	vld [tilespmem:s26+$0x20]  }
0x104: {  	v15 =	vshll.u32 v15, $0x6;
	v31 =	vand.u32 $0x3C, v31;
	v33 =	vld [tilespmem:s26+$0x30]  }
0x105: {  	v15 =	vand.u32 $0x3C0, v15;
	v34 =	vld [tilespmem:s26+$0x40];
	v27 =	vor.u32 v27, v31  }
0x106: {  	v31 =	vld [tilespmem:s26+$0x50];
	v15 =	vor.u32 v15, v27  }
0x107: {  	v27 =	vld [tilespmem:s26+$0x60]  }
0x108: {  	v35 =	vld.idx.msk [tilespmem:v14+s7+$0x0], $0xffff  }
0x109: {  	v22 =	vld.idx.msk [tilespmem:v22+s7+$0x0], $0xffff  }
0x10a: {  	v23 =	vld.idx.msk [tilespmem:v23+s7+$0x0], $0xffff  }
0x10b: {  	v36 =	vld.idx.msk [tilespmem:v15+s30+$0x0], $0xffff  }
0x10c: {  	v30 =	vld.idx.msk [tilespmem:v30+s7+$0x0], $0xffff  }
0x10d: {  	v28 =	vld.idx.msk [tilespmem:v28+s7+$0x0], $0xffff  }
0x10e: {  	v14 =	vand.u32 $0xFFFFFFF0, v35;
	v15 =	vshll.u32 v35, $0x2;
	v35 =	vld.idx.msk [tilespmem:v21+s7+$0x0], $0xffff  }
0x10f: {  	v37 =	vand.u32 $0x3C, v15;
	v15 =	vand.u32 $0xFFFFFFF0, v22;
	v21 =	vshll.u32 v22, $0x2;
	v29 =	vld.idx.msk [tilespmem:v29+s7+$0x0], $0xffff  }
0x110: {  	v22 =	vand.u32 $0xFFFFFFF0, v17;
	v39 =	vand.u32 $0x3C, v21;
	v21 =	vshll.u32 v23, $0x2;
	v38 =	vld.idx.msk [tilespmem:v26+s7+$0x0], $0xffff  }
0x111: {  	v17 =	vand.u32 $0xFFFFFFF0, v23;
	v41 =	vand.u32 $0x3C, v21;
	v21 =	vmul.f32 v22, v36;
	v40 =	vld.idx.msk [tilespmem:v25+s7+$0x0], $0xffff  }
0x112: {  	v42 =	vand.u32 $0xFFFFFFF0, v30;
	v22 =	vshll.u32 v30, $0x2;
	v36 =	vld.idx.msk [tilespmem:v24+s7+$0x0], $0xffff  }
0x113: {  	s22 =	sadd.s32 $0x80, s22;
	v43 =	vand.u32 $0x3C, v22;
	v22 =	vshll.u32 v28, $0x2;
	v23 =	vmul.f32 v21, v5;
	v30 =	vld.idx.msk [tilespmem:v33+s7+$0x0], $0xffff  }
0x114: {  	s19 =	sadd.s32 $0x80, s19;
	v21 =	vand.u32 $0xFFFFFFF0, v28;
	v45 =	vand.u32 $0x3C, v22;
	v28 =	vshll.u32 v35, $0x2;
	v44 =	vld.idx.msk [tilespmem:v34+s7+$0x0], $0xffff;
	[tilespmem:s22+$0x30] =	vst v32  }
0x115: {  	v22 =	vand.u32 $0xFFFFFFF0, v35;
	v35 =	vand.u32 $0x3C, v28;
	v28 =	vshll.u32 v29, $0x2;
	v32 =	vld.idx.msk [tilespmem:v31+s7+$0x0], $0xffff;
	[tilespmem:s19+$0x30] =	vst v23  }
0x116: {  	v38 =	vshll.u32 v38, $0x6;
	v23 =	vand.u32 $0xFFFFFFF0, v29;
	v47 =	vand.u32 $0x3C, v28;
	v46 =	vld.idx.msk [tilespmem:v27+s7+$0x0], $0xffff  }
0x117: {  	v29 =	vand.u32 $0x3C0, v38;
	v38 =	vshll.u32 v40, $0x6;
	v28 =	vld [tilespmem:s17+$0xFFFFFFC0]  }
0x118: {  	v38 =	vand.u32 $0x3C0, v38;
	v36 =	vshll.u32 v36, $0x6;
	v40 =	vld [tilespmem:s17+$0xFFFFFFD0]  }
0x119: {  	v36 =	vand.u32 $0x3C0, v36;
	v30 =	vshll.u32 v30, $0x6;
	v48 =	vld [tilespmem:s17+$0xFFFFFFE0]  }
0x11a: {  	v30 =	vand.u32 $0x3C0, v30;
	v44 =	vshll.u32 v44, $0x6;
	v49 =	vld [tilespmem:s17+$0xFFFFFFF0]  }
0x11b: {  	v44 =	vand.u32 $0x3C0, v44;
	v32 =	vshll.u32 v32, $0x6;
	v50 =	vld [tilespmem:s17+$0x0]  }
0x11c: {  	v32 =	vand.u32 $0x3C0, v32;
	v46 =	vshll.u32 v46, $0x6;
	v28 =	vor.u32 v28, v37;
	v37 =	vld [tilespmem:s17+$0x10]  }
0x11d: {  	v51 =	vor.u32 v29, v28;
	v28 =	vor.u32 v40, v39;
	v39 =	vld [tilespmem:s17+$0x20];
	v40 =	vand.u32 $0x3C0, v46  }
0x11e: {  	v38 =	vor.u32 v38, v28;
	v28 =	vor.u32 v48, v41;
	v41 =	vld.idx.msk [tilespmem:v18+s30+$0x0], $0xffff;
	[tilespmem:s23+$0xFFFFFFF0] =	vst v6;
	v6 =	vmov v33  }
0x11f: {  	v33 =	vor.u32 v36, v28;
	v18 =	vor.u32 v49, v43;
	v28 =	vld.idx.msk [tilespmem:v16+s30+$0x0], $0xffff;
	[tilespmem:s23+$0x0] =	vst v7;
	v7 =	vmov v34  }
.Ltmp6:
0x120: {  	v18 =	vor.u32 v30, v18;
	v16 =	vor.u32 v50, v45;
	v29 =	vld.idx.msk [tilespmem:v20+s30+$0x0], $0xffff;
	[tilespmem:s23+$0x10] =	vst v8;
	v8 =	vmov v31;
	(pc) =	sbr.rel @p0 .LBB2_11-.Ltmp6, $4  }
0x121: {  	v16 =	vor.u32 v44, v16;
	v20 =	vor.u32 v37, v35;
	v30 =	vld.idx.msk [tilespmem:v19+s30+$0x0], $0xffff;
	[tilespmem:s23+$0x20] =	vst v9;
	v9 =	vmov v27;
	s23 =	smov.u32 s22  }
0x122: {  	v31 =	vld.idx.msk [tilespmem:v51+s30+$0x0], $0xffff;
	[tilespmem:s22+$0xFFFFFFC0] =	vst v26;
	v20 =	vor.u32 v32, v20;
	v19 =	vor.u32 v39, v47  }
0x123: {  	v26 =	vld.idx.msk [tilespmem:v38+s30+$0x0], $0xffff;
	[tilespmem:s22+$0xFFFFFFD0] =	vst v25;
	v19 =	vor.u32 v40, v19  }
0x124: {  	s26 =	sadd.s32 $0x100, s26;
	v25 =	vld.idx.msk [tilespmem:v33+s30+$0x0], $0xffff;
	[tilespmem:s22+$0xFFFFFFE0] =	vst v24;
	v24 =	vmul.f32 v13, v41;
	v13 =	vmov v42  }
0x125: {  	v10 =	vmul.f32 v10, v28  }
0x126: {  	v11 =	vmul.f32 v11, v29;
	v24 =	vmul.f32 v24, v5  }
0x127: {  	v12 =	vmul.f32 v12, v30;
	v10 =	vmul.f32 v10, v5  }
0x128: {  	v14 =	vmul.f32 v14, v31;
	v11 =	vmul.f32 v11, v5;
	[tilespmem:s18+$0xFFFFFFF0] =	vst v24  }
0x129: {  	v15 =	vmul.f32 v15, v26;
	[tilespmem:s18+$0x0] =	vst v10;
	v10 =	vmul.f32 v12, v5  }
0x12a: {  	v12 =	vmul.f32 v14, v5;
	v14 =	vmul.f32 v17, v25;
	[tilespmem:s18+$0x10] =	vst v11;
	v11 =	vld.idx.msk [tilespmem:v18+s30+$0x0], $0xffff  }
0x12b: {  	v15 =	vmul.f32 v15, v5;
	[tilespmem:s18+$0x20] =	vst v10;
	v10 =	vld.idx.msk [tilespmem:v16+s30+$0x0], $0xffff  }
0x12c: {  	[tilespmem:s19+$0xFFFFFFC0] =	vst v12;
	v12 =	vmul.f32 v14, v5;
	v14 =	vld.idx.msk [tilespmem:v20+s30+$0x0], $0xffff  }
0x12d: {  	[tilespmem:s19+$0xFFFFFFD0] =	vst v15;
	v15 =	vld.idx.msk [tilespmem:v19+s30+$0x0], $0xffff  }
0x12e: {  	[tilespmem:s23+$0xFFFFFFF0] =	vst v6  }
0x12f: {  	[tilespmem:s23+$0x0] =	vst v7;
	v6 =	vmul.f32 v13, v11  }
0x130: {  	[tilespmem:s23+$0x10] =	vst v8;
	v7 =	vmul.f32 v21, v10  }
0x131: {  	p0 =	seq.s32 s15, $0x30;
	[tilespmem:s23+$0x20] =	vst v9;
	v6 =	vmul.f32 v6, v5;
	v8 =	vmul.f32 v22, v14  }
0x132: {  	s17 =	sadd.s32 @!p0 $0x4, s16;
	[tilespmem:s19+$0xFFFFFFE0] =	vst v12;
	v9 =	vmul.f32 v23, v15;
	v7 =	vmul.f32 v7, v5  }
0x133: {  	s17 =	smin.u32 @!p0 s17, s11;
	[tilespmem:s19+$0xFFFFFFF0] =	vst v6;
	v6 =	vmul.f32 v8, v5  }
0x134: {  	s17 =	sadd.s32 @!p0 s9, s17;
	v5 =	vmul.f32 v9, v5;
	[tilespmem:s19+$0x0] =	vst v7  }
0x135: {  	s22 =	simm.s32 @!p0 $0x18C80;
	s18 =	sshll.u32 @!p0 s17, $0x8;
	[tilespmem:s19+$0x10] =	vst v6  }
0x136: {  	s17 =	sshll.u32 @!p0 s17, $0x7;
	s18 =	sadd.s32 @!p0 s2, s18;
	[tilespmem:s19+$0x20] =	vst v5;
	s19 =	simm.s32 @!p0 $0x0  }
0x137: {  	[tilespmem:s22], [sflag:$0x1] =	stream.linear.gather @!p0 [hbm4b:s18+s19], $0x800, $0x38;
	[tilespmem:$0x1FB80] =	vst v63  }
0x138: {  	s17 =	sadd.s32 @!p0 s3, s17;
	s18 =	simm.s32 @!p0 $0x1AC80  }
0x139: {  	[tilespmem:s18], [sflag:$0x1] =	stream.linear.gather @!p0 [hbm4b:s17+s19], $0x400, $0x38;
	[tilespmem:$0x1FB80] =	vst v63  }
0x13a: {  	_ =	swait.ge [sflag:s5], $0x800  }
0x13b: {  	[sflag:s5] =	ssyncset.done $0x0  }
0x13c: {  	[sflag:s5] =	ssyncadd.s32 $0xFFFFF800  }
0x13d: {  	_ =	swait.ge [sflag:s5], $0x400  }
0x13e: {  	[sflag:s5] =	ssyncset.done $0x0  }
0x13f: {  	s22 =	simm.s32 $0x19500;
	[sflag:s5] =	ssyncadd.s32 $0xFFFFFC00  }
0x140: {  	v5 =	vld [tilespmem:s22+$0xFFFFFFF0]  }
0x141: {  	v15 =	vld [tilespmem:s22+$0x70]  }
0x142: {  	v6 =	vld [tilespmem:s22+$0xFFFFFF90]  }
0x143: {  	v7 =	vld [tilespmem:s22+$0xFFFFFFA0]  }
0x144: {  	v8 =	vld [tilespmem:s22+$0xFFFFFFB0]  }
0x145: {  	v9 =	vld [tilespmem:s22+$0xFFFFFFC0]  }
0x146: {  	v10 =	vld [tilespmem:s22+$0xFFFFFFD0]  }
0x147: {  	v11 =	vld [tilespmem:s22+$0xFFFFFFE0]  }
0x148: {  	s23 =	simm.s32 $0x1B0C0;
	v14 =	vld [tilespmem:s22+$0xFFFFFF80]  }
0x149: {  	v16 =	vld [tilespmem:s23+$0x30]  }
0x14a: {  	v17 =	vld [tilespmem:s22+$0x0]  }
0x14b: {  	v13 =	vld [tilespmem:s22+$0x10]  }
0x14c: {  	v21 =	vld [tilespmem:s22+$0x20]  }
0x14d: {  	v20 =	vld [tilespmem:s22+$0x30]  }
0x14e: {  	v19 =	vld [tilespmem:s22+$0x40]  }
0x14f: {  	v24 =	vld [tilespmem:s23+$0xFFFFFFE0]  }
0x150: {  	v36 =	vld [tilespmem:s23+$0xFFFFFFF0]  }
0x151: {  	v37 =	vld [tilespmem:s23+$0x0]  }
0x152: {  	v38 =	vld [tilespmem:s23+$0x10]  }
0x153: {  	s25 =	simm.s32 $0x19600;
	v39 =	vld [tilespmem:s23+$0x20]  }
0x154: {  	v43 =	vld [tilespmem:s25+$0x70]  }
0x155: {  	v44 =	vld [tilespmem:s25+$0xFFFFFFB0]  }
0x156: {  	v45 =	vld [tilespmem:s25+$0xFFFFFFC0]  }
0x157: {  	v46 =	vld [tilespmem:s25+$0xFFFFFFD0]  }
0x158: {  	v47 =	vld [tilespmem:s25+$0xFFFFFFE0]  }
0x159: {  	v49 =	vld [tilespmem:s25+$0xFFFFFF80]  }
0x15a: {  	s17 =	simm.s32 $0x1B140;
	v26 =	vld [tilespmem:s25+$0x0]  }
0x15b: {  	v56 =	vld [tilespmem:s17+$0xFFFFFFC0]  }
0x15c: {  	v12 =	vld.idx.msk [tilespmem:v5+s7+$0x0], $0xffff  }
0x15d: {  	v5 =	vld.idx.msk [tilespmem:v15+s7+$0x0], $0xffff  }
0x15e: {  	v14 =	vld.idx.msk [tilespmem:v14+s7+$0x0], $0xffff  }
0x15f: {  	v22 =	vld.idx.msk [tilespmem:v6+s7+$0x0], $0xffff  }
0x160: {  	v23 =	vld.idx.msk [tilespmem:v7+s7+$0x0], $0xffff  }
0x161: {  	v28 =	vld.idx.msk [tilespmem:v8+s7+$0x0], $0xffff  }
0x162: {  	v29 =	vld.idx.msk [tilespmem:v9+s7+$0x0], $0xffff;
	v18 =	vshll.u32 v12, $0x2  }
0x163: {  	v30 =	vld.idx.msk [tilespmem:v10+s7+$0x0], $0xffff;
	v5 =	vshll.u32 v5, $0x6;
	v18 =	vand.u32 $0x3C, v18  }
0x164: {  	v31 =	vld.idx.msk [tilespmem:v11+s7+$0x0], $0xffff;
	v5 =	vand.u32 $0x3C0, v5;
	v16 =	vor.u32 v16, v18  }
0x165: {  	v6 =	vld.idx.msk [tilespmem:v13+s7+$0x0], $0xffff;
	v5 =	vor.u32 v5, v16  }
0x166: {  	v7 =	vld.idx.msk [tilespmem:v21+s7+$0x0], $0xffff  }
0x167: {  	v8 =	vld [tilespmem:s23+$0xFFFFFFC0]  }
0x168: {  	v9 =	vld [tilespmem:s23+$0xFFFFFFD0]  }
0x169: {  	v18 =	vld [tilespmem:s22+$0x50]  }
0x16a: {  	v10 =	vshll.u32 v14, $0x2;
	v27 =	vld.idx.msk [tilespmem:v5+s30+$0x0], $0xffff  }
0x16b: {  	v10 =	vand.u32 $0x3C, v10;
	v5 =	vld.idx.msk [tilespmem:v17+s7+$0x0], $0xffff  }
0x16c: {  	v8 =	vor.u32 v8, v10;
	v10 =	vld [tilespmem:s25+$0xFFFFFF90]  }
0x16d: {  	v16 =	vld [tilespmem:s22+$0x60]  }
0x16e: {  	v32 =	vld.idx.msk [tilespmem:v20+s7+$0x0], $0xffff  }
0x16f: {  	v33 =	vld.idx.msk [tilespmem:v19+s7+$0x0], $0xffff  }
0x170: {  	v49 =	vld.idx.msk [tilespmem:v49+s7+$0x0], $0xffff;
	v11 =	vshll.u32 v22, $0x2;
	v5 =	vshll.u32 v5, $0x6  }
0x171: {  	v59 =	vld.idx.msk [tilespmem:v45+s7+$0x0], $0xffff;
	v25 =	vshll.u32 v23, $0x2;
	v6 =	vshll.u32 v6, $0x6;
	v5 =	vand.u32 $0x3C0, v5  }
0x172: {  	v45 =	vld.idx.msk [tilespmem:v46+s7+$0x0], $0xffff;
	v7 =	vshll.u32 v7, $0x6;
	v12 =	vand.u32 $0xFFFFFFF0, v12;
	v5 =	vor.u32 v5, v8  }
0x173: {  	v51 =	vshll.u32 v28, $0x2;
	v57 =	vshll.u32 v29, $0x2;
	v32 =	vshll.u32 v32, $0x6;
	v34 =	vld.idx.msk [tilespmem:v18+s7+$0x0], $0xffff  }
0x174: {  	v33 =	vshll.u32 v33, $0x6;
	v11 =	vand.u32 $0x3C, v11;
	v25 =	vand.u32 $0x3C, v25;
	v52 =	vld.idx.msk [tilespmem:v10+s7+$0x0], $0xffff  }
0x175: {  	v6 =	vand.u32 $0x3C0, v6;
	v7 =	vand.u32 $0x3C0, v7;
	v32 =	vand.u32 $0x3C0, v32;
	v35 =	vld.idx.msk [tilespmem:v16+s7+$0x0], $0xffff  }
0x176: {  	v33 =	vand.u32 $0x3C0, v33;
	v12 =	vmul.f32 v12, v27;
	v8 =	vor.u32 v9, v11;
	v11 =	vld [tilespmem:s25+$0xFFFFFFA0]  }
0x177: {  	v27 =	vand.u32 $0xFFFFFFF0, v28;
	v28 =	vand.u32 $0x3C, v51;
	v51 =	vand.u32 $0x3C, v57;
	v40 =	vld.idx.msk [tilespmem:v5+s30+$0x0], $0xffff  }
0x178: {  	v28 =	vor.u32 v36, v28;
	v37 =	vor.u32 v37, v51;
	v6 =	vor.u32 v6, v8;
	v5 =	vld [tilespmem:s25+$0xFFFFFFF0]  }
0x179: {  	v28 =	vor.u32 v32, v28;
	v32 =	vor.u32 v33, v37;
	v33 =	vld.idx.msk [tilespmem:v26+s7+$0x0], $0xffff;
	v8 =	vor.u32 v24, v25  }
0x17a: {  	v25 =	vld [tilespmem:s25+$0x10];
	v7 =	vor.u32 v7, v8  }
0x17b: {  	v24 =	vld [tilespmem:s25+$0x20]  }
0x17c: {  	v8 =	vld [tilespmem:s17+$0x30]  }
0x17d: {  	v41 =	vld.idx.msk [tilespmem:v6+s30+$0x0], $0xffff  }
0x17e: {  	v6 =	vld [tilespmem:s25+$0x30]  }
0x17f: {  	v42 =	vld.idx.msk [tilespmem:v7+s30+$0x0], $0xffff  }
0x180: {  	v14 =	vand.u32 $0xFFFFFFF0, v14;
	v48 =	vld.idx.msk [tilespmem:v5+s7+$0x0], $0xffff  }
0x181: {  	v22 =	vand.u32 $0xFFFFFFF0, v22;
	v23 =	vand.u32 $0xFFFFFFF0, v23;
	v58 =	vshll.u32 v31, $0x2;
	v5 =	vld.idx.msk [tilespmem:v43+s7+$0x0], $0xffff  }
0x182: {  	s26 =	simm.s32 $0x1C0C0;
	v10 =	vand.u32 $0xFFFFFFF0, v29;
	v36 =	vand.u32 $0x3C, v58;
	v34 =	vshll.u32 v34, $0x6;
	v29 =	vld.idx.msk [tilespmem:v11+s7+$0x0], $0xffff  }
0x183: {  	[tilespmem:s26+$0x30] =	vst v15;
	v60 =	vor.u32 v39, v36;
	v15 =	vand.u32 $0xFFFFFFF0, v52;
	v35 =	vshll.u32 v35, $0x6;
	v37 =	vld.idx.msk [tilespmem:v25+s7+$0x0], $0xffff  }
0x184: {  	v34 =	vand.u32 $0x3C0, v34;
	v35 =	vand.u32 $0x3C0, v35;
	v33 =	vshll.u32 v33, $0x6;
	v36 =	vld.idx.msk [tilespmem:v24+s7+$0x0], $0xffff  }
0x185: {  	v46 =	vld.idx.msk [tilespmem:v47+s7+$0x0], $0xffff;
	[tilespmem:s26+$0xFFFFFFE0] =	vst v21;
	v21 =	vand.u32 $0xFFFFFFF0, v59;
	v11 =	vand.u32 $0xFFFFFFF0, v30;
	v7 =	vshll.u32 v48, $0x2  }
0x186: {  	v58 =	vld [tilespmem:s17+$0xFFFFFFD0];
	v14 =	vmul.f32 v14, v40;
	v5 =	vshll.u32 v5, $0x6;
	v9 =	vand.u32 $0x3C, v7  }
0x187: {  	p1 =	slt.u32 s16, s20;
	s19 =	simm.f32 $1.000000000e+00;
	v54 =	vld.idx.msk [tilespmem:v28+s30+$0x0], $0xffff;
	v22 =	vmul.f32 v22, v41;
	v50 =	vand.u32 $0x3C0, v5;
	v9 =	vor.u32 v8, v9  }
0x188: {  	s19 =	simm.s32 @!p1 $0x0;
	[tilespmem:s26+$0xFFFFFFC0] =	vst v17;
	v23 =	vmul.f32 v23, v42;
	v17 =	vand.u32 $0xFFFFFFF0, v29;
	v39 =	vld.idx.msk [tilespmem:v6+s7+$0x0], $0xffff;
	v50 =	vor.u32 v50, v9  }
0x189: {  	v37 =	vshll.u32 v37, $0x6;
	v36 =	vshll.u32 v36, $0x6;
	v7 =	vld [tilespmem:s25+$0x40];
	v5 =	vmov s19  }
0x18a: {  	v48 =	vand.u32 $0xFFFFFFF0, v48;
	v8 =	vld [tilespmem:s25+$0x50];
	v53 =	vmul.f32 v12, v5;
	v61 =	vmul.f32 v14, v5  }
0x18b: {  	v12 =	vshll.u32 v30, $0x2;
	v62 =	vmul.f32 v22, v5;
	v23 =	vmul.f32 v23, v5;
	v9 =	vld [tilespmem:s25+$0x60]  }
0x18c: {  	s18 =	simm.s32 $0x1D0C0;
	[tilespmem:s26+$0xFFFFFFD0] =	vst v13;
	v22 =	vshll.u32 v49, $0x2;
	v30 =	vand.u32 $0x3C, v12;
	v12 =	vand.u32 $0xFFFFFFF0, v31;
	v31 =	vld.idx.msk [tilespmem:v44+s7+$0x0], $0xffff  }
0x18d: {  	v63 =	vand.u32 $0x3C, v22;
	v22 =	vshll.u32 v52, $0x2;
	v30 =	vor.u32 v38, v30;
	[tilespmem:s18+$0xFFFFFFC0] =	vst v61;
	v50 =	vld.idx.msk [tilespmem:v50+s30+$0x0], $0xffff  }
0x18e: {  	v52 =	vld [tilespmem:s17+$0x0];
	v47 =	vand.u32 $0x3C, v22;
	v22 =	vshll.u32 v29, $0x2;
	[tilespmem:s18+$0xFFFFFFE0] =	vst v23;
	v23 =	vand.u32 $0x3C0, v33  }
0x18f: {  	[tilespmem:s18+$0xFFFFFFD0] =	vst v62;
	v61 =	vand.u32 $0x3C0, v37;
	v62 =	vor.u32 v56, v63;
	v63 =	vld [tilespmem:s17+$0x10];
	v30 =	vor.u32 v34, v30  }
0x190: {  	v34 =	vor.u32 v35, v60;
	v57 =	vand.u32 $0x3C, v22;
	v22 =	vshll.u32 v59, $0x2;
	v59 =	vld [tilespmem:s17+$0xFFFFFFE0]  }
0x191: {  	v60 =	vshll.u32 v45, $0x2;
	v35 =	vand.u32 $0x3C, v22;
	v22 =	vand.u32 $0xFFFFFFF0, v45;
	v45 =	vld [tilespmem:s17+$0xFFFFFFF0]  }
0x192: {  	v37 =	vor.u32 v23, v62;
	v23 =	vor.u32 v58, v47;
	v40 =	vld.idx.msk [tilespmem:v7+s7+$0x0], $0xffff;
	v29 =	vmul.f32 v48, v50  }
0x193: {  	[tilespmem:s26+$0xFFFFFFF0] =	vst v20;
	v14 =	vand.u32 $0xFFFFFFF0, v49;
	v38 =	vand.u32 $0x3C, v60;
	v33 =	vor.u32 v61, v23;
	v42 =	vld.idx.msk [tilespmem:v8+s7+$0x0], $0xffff  }
0x194: {  	s22 =	simm.s32 $0x1C140;
	[tilespmem:s18+$0x30] =	vst v53;
	v55 =	vshll.u32 v31, $0x2;
	v13 =	vand.u32 $0xFFFFFFF0, v31;
	v49 =	vld.idx.msk [tilespmem:v9+s7+$0x0], $0xffff;
	v29 =	vmul.f32 v29, v5  }
0x195: {  	s19 =	simm.s32 $0x1D140;
	[tilespmem:s22+$0x30] =	vst v43;
	v35 =	vor.u32 v52, v35;
	v31 =	vand.u32 $0x3C, v55;
	v55 =	vshll.u32 v46, $0x2;
	v50 =	vld [tilespmem:s17+$0x20]  }
0x196: {  	v63 =	vor.u32 v63, v38;
	v53 =	vor.u32 v59, v57;
	[tilespmem:s19+$0x30] =	vst v29;
	v29 =	vand.u32 $0x3C0, v36  }
0x197: {  	v28 =	vld.idx.msk [tilespmem:v32+s30+$0x0], $0xffff;
	[tilespmem:s26+$0x0] =	vst v19;
	v57 =	vshll.u32 v39, $0x6;
	v58 =	vshll.u32 v40, $0x6;
	v20 =	vor.u32 v29, v53  }
0x198: {  	v56 =	vand.u32 $0x3C, v55;
	v19 =	vand.u32 $0x3C0, v57;
	v59 =	vand.u32 $0x3C0, v58;
	v29 =	vld.idx.msk [tilespmem:v30+s30+$0x0], $0xffff;
	[tilespmem:s26+$0x10] =	vst v18  }
0x199: {  	v60 =	vshll.u32 v42, $0x6;
	v62 =	vshll.u32 v49, $0x6;
	v30 =	vld.idx.msk [tilespmem:v34+s30+$0x0], $0xffff;
	v18 =	vor.u32 v45, v31;
	[tilespmem:s26+$0x20] =	vst v16  }
0x19a: {  	v31 =	vld.idx.msk [tilespmem:v37+s30+$0x0], $0xffff;
	[tilespmem:s22+$0xFFFFFFC0] =	vst v26;
	v32 =	vor.u32 v50, v56;
	v18 =	vor.u32 v19, v18;
	v19 =	vand.u32 $0x3C0, v62  }
0x19b: {  	v61 =	vand.u32 $0x3C0, v60;
	v16 =	vor.u32 v59, v35;
	v26 =	vld.idx.msk [tilespmem:v33+s30+$0x0], $0xffff;
	[tilespmem:s22+$0xFFFFFFD0] =	vst v25;
	v19 =	vor.u32 v19, v32  }
0x19c: {  	s23 =	simm.s32 $0x1C140;
	s25 =	simm.s32 $0x8;
	v23 =	vand.u32 $0xFFFFFFF0, v46;
	s26 =	simm.s32 $0x19700;
	v25 =	vld.idx.msk [tilespmem:v20+s30+$0x0], $0xffff;
	v20 =	vor.u32 v61, v63;
	[tilespmem:s22+$0xFFFFFFE0] =	vst v24;
	v24 =	vmul.f32 v27, v54  }
.LBB2_13:
0x19d: {  	v27 =	vld [tilespmem:s26+$0xFFFFFFF0];
	s25 =	sadd.s32 $0x8, s25;
	v28 =	vmul.f32 v10, v28;
	v10 =	vmov v21  }
0x19e: {  	v32 =	vld [tilespmem:s26+$0x70];
	p1 =	slt.u32 s25, $0x38;
	v21 =	vmul.f32 v24, v5;
	v24 =	vmul.f32 v11, v29;
	v11 =	vmov v22  }
0x19f: {  	v29 =	vmul.f32 v12, v30;
	v12 =	vmov v23;
	v22 =	vld [tilespmem:s26+$0xFFFFFF90];
	v28 =	vmul.f32 v28, v5  }
0x1a0: {  	v14 =	vmul.f32 v14, v31;
	v23 =	vld [tilespmem:s26+$0xFFFFFFA0];
	[tilespmem:s18+$0xFFFFFFF0] =	vst v21;
	v21 =	vmul.f32 v24, v5  }
0x1a1: {  	v15 =	vmul.f32 v15, v26;
	v24 =	vmul.f32 v29, v5;
	v30 =	vld [tilespmem:s26+$0xFFFFFFB0];
	[tilespmem:s18+$0x0] =	vst v28  }
0x1a2: {  	v14 =	vmul.f32 v14, v5;
	v17 =	vmul.f32 v17, v25;
	v28 =	vld [tilespmem:s26+$0xFFFFFFC0];
	[tilespmem:s18+$0x10] =	vst v21  }
0x1a3: {  	v15 =	vmul.f32 v15, v5;
	v21 =	vld [tilespmem:s26+$0xFFFFFFD0];
	[tilespmem:s18+$0x20] =	vst v24;
	s18 =	smov.u32 s19  }
0x1a4: {  	v29 =	vld [tilespmem:s26+$0xFFFFFFE0];
	[tilespmem:s19+$0xFFFFFFC0] =	vst v14;
	v14 =	vmul.f32 v17, v5  }
0x1a5: {  	v17 =	vld.idx.msk [tilespmem:v27+s7+$0x0], $0xffff;
	[tilespmem:s19+$0xFFFFFFD0] =	vst v15  }
0x1a6: {  	v15 =	vld.idx.msk [tilespmem:v32+s7+$0x0], $0xffff;
	[tilespmem:s19+$0xFFFFFFE0] =	vst v14  }
0x1a7: {  	s17 =	sadd.s32 $0x80, s17;
	v14 =	vld [tilespmem:s26+$0xFFFFFF80]  }
0x1a8: {  	v27 =	vld [tilespmem:s17+$0x30]  }
0x1a9: {  	v26 =	vld [tilespmem:s26+$0x0]  }
0x1aa: {  	v25 =	vld [tilespmem:s26+$0x10]  }
0x1ab: {  	v31 =	vshll.u32 v17, $0x2;
	v24 =	vld [tilespmem:s26+$0x20]  }
0x1ac: {  	v15 =	vshll.u32 v15, $0x6;
	v31 =	vand.u32 $0x3C, v31;
	v33 =	vld [tilespmem:s26+$0x30]  }
0x1ad: {  	v15 =	vand.u32 $0x3C0, v15;
	v34 =	vld [tilespmem:s26+$0x40];
	v27 =	vor.u32 v27, v31  }
0x1ae: {  	v31 =	vld [tilespmem:s26+$0x50];
	v15 =	vor.u32 v15, v27  }
0x1af: {  	v27 =	vld [tilespmem:s26+$0x60]  }
0x1b0: {  	v35 =	vld.idx.msk [tilespmem:v14+s7+$0x0], $0xffff  }
0x1b1: {  	v22 =	vld.idx.msk [tilespmem:v22+s7+$0x0], $0xffff  }
0x1b2: {  	v23 =	vld.idx.msk [tilespmem:v23+s7+$0x0], $0xffff  }
0x1b3: {  	v36 =	vld.idx.msk [tilespmem:v15+s30+$0x0], $0xffff  }
0x1b4: {  	v30 =	vld.idx.msk [tilespmem:v30+s7+$0x0], $0xffff  }
0x1b5: {  	v28 =	vld.idx.msk [tilespmem:v28+s7+$0x0], $0xffff  }
0x1b6: {  	v14 =	vand.u32 $0xFFFFFFF0, v35;
	v15 =	vshll.u32 v35, $0x2;
	v35 =	vld.idx.msk [tilespmem:v21+s7+$0x0], $0xffff  }
0x1b7: {  	v37 =	vand.u32 $0x3C, v15;
	v15 =	vand.u32 $0xFFFFFFF0, v22;
	v21 =	vshll.u32 v22, $0x2;
	v29 =	vld.idx.msk [tilespmem:v29+s7+$0x0], $0xffff  }
0x1b8: {  	v22 =	vand.u32 $0xFFFFFFF0, v17;
	v39 =	vand.u32 $0x3C, v21;
	v21 =	vshll.u32 v23, $0x2;
	v38 =	vld.idx.msk [tilespmem:v26+s7+$0x0], $0xffff  }
0x1b9: {  	v17 =	vand.u32 $0xFFFFFFF0, v23;
	v41 =	vand.u32 $0x3C, v21;
	v21 =	vmul.f32 v22, v36;
	v40 =	vld.idx.msk [tilespmem:v25+s7+$0x0], $0xffff  }
0x1ba: {  	v42 =	vand.u32 $0xFFFFFFF0, v30;
	v22 =	vshll.u32 v30, $0x2;
	v36 =	vld.idx.msk [tilespmem:v24+s7+$0x0], $0xffff  }
0x1bb: {  	s22 =	sadd.s32 $0x80, s22;
	v43 =	vand.u32 $0x3C, v22;
	v22 =	vshll.u32 v28, $0x2;
	v23 =	vmul.f32 v21, v5;
	v30 =	vld.idx.msk [tilespmem:v33+s7+$0x0], $0xffff  }
0x1bc: {  	s19 =	sadd.s32 $0x80, s19;
	v21 =	vand.u32 $0xFFFFFFF0, v28;
	v45 =	vand.u32 $0x3C, v22;
	v28 =	vshll.u32 v35, $0x2;
	v44 =	vld.idx.msk [tilespmem:v34+s7+$0x0], $0xffff;
	[tilespmem:s22+$0x30] =	vst v32  }
0x1bd: {  	v22 =	vand.u32 $0xFFFFFFF0, v35;
	v35 =	vand.u32 $0x3C, v28;
	v28 =	vshll.u32 v29, $0x2;
	v32 =	vld.idx.msk [tilespmem:v31+s7+$0x0], $0xffff;
	[tilespmem:s19+$0x30] =	vst v23  }
0x1be: {  	v38 =	vshll.u32 v38, $0x6;
	v23 =	vand.u32 $0xFFFFFFF0, v29;
	v47 =	vand.u32 $0x3C, v28;
	v46 =	vld.idx.msk [tilespmem:v27+s7+$0x0], $0xffff  }
0x1bf: {  	v29 =	vand.u32 $0x3C0, v38;
	v38 =	vshll.u32 v40, $0x6;
	v28 =	vld [tilespmem:s17+$0xFFFFFFC0]  }
0x1c0: {  	v38 =	vand.u32 $0x3C0, v38;
	v36 =	vshll.u32 v36, $0x6;
	v40 =	vld [tilespmem:s17+$0xFFFFFFD0]  }
0x1c1: {  	v36 =	vand.u32 $0x3C0, v36;
	v30 =	vshll.u32 v30, $0x6;
	v48 =	vld [tilespmem:s17+$0xFFFFFFE0]  }
0x1c2: {  	v30 =	vand.u32 $0x3C0, v30;
	v44 =	vshll.u32 v44, $0x6;
	v49 =	vld [tilespmem:s17+$0xFFFFFFF0]  }
0x1c3: {  	v44 =	vand.u32 $0x3C0, v44;
	v32 =	vshll.u32 v32, $0x6;
	v50 =	vld [tilespmem:s17+$0x0]  }
0x1c4: {  	v32 =	vand.u32 $0x3C0, v32;
	v46 =	vshll.u32 v46, $0x6;
	v28 =	vor.u32 v28, v37;
	v37 =	vld [tilespmem:s17+$0x10]  }
0x1c5: {  	v51 =	vor.u32 v29, v28;
	v28 =	vor.u32 v40, v39;
	v39 =	vld [tilespmem:s17+$0x20];
	v40 =	vand.u32 $0x3C0, v46  }
0x1c6: {  	v38 =	vor.u32 v38, v28;
	v28 =	vor.u32 v48, v41;
	v41 =	vld.idx.msk [tilespmem:v18+s30+$0x0], $0xffff;
	[tilespmem:s23+$0xFFFFFFF0] =	vst v6;
	v6 =	vmov v33  }
0x1c7: {  	v33 =	vor.u32 v36, v28;
	v18 =	vor.u32 v49, v43;
	v28 =	vld.idx.msk [tilespmem:v16+s30+$0x0], $0xffff;
	[tilespmem:s23+$0x0] =	vst v7;
	v7 =	vmov v34  }
.Ltmp7:
0x1c8: {  	v18 =	vor.u32 v30, v18;
	v16 =	vor.u32 v50, v45;
	v29 =	vld.idx.msk [tilespmem:v20+s30+$0x0], $0xffff;
	[tilespmem:s23+$0x10] =	vst v8;
	v8 =	vmov v31;
	(pc) =	sbr.rel @p1 .LBB2_13-.Ltmp7, $4  }
0x1c9: {  	v16 =	vor.u32 v44, v16;
	v20 =	vor.u32 v37, v35;
	v30 =	vld.idx.msk [tilespmem:v19+s30+$0x0], $0xffff;
	[tilespmem:s23+$0x20] =	vst v9;
	v9 =	vmov v27;
	s23 =	smov.u32 s22  }
0x1ca: {  	v31 =	vld.idx.msk [tilespmem:v51+s30+$0x0], $0xffff;
	[tilespmem:s22+$0xFFFFFFC0] =	vst v26;
	v20 =	vor.u32 v32, v20;
	v19 =	vor.u32 v39, v47  }
0x1cb: {  	v26 =	vld.idx.msk [tilespmem:v38+s30+$0x0], $0xffff;
	[tilespmem:s22+$0xFFFFFFD0] =	vst v25;
	v19 =	vor.u32 v40, v19  }
0x1cc: {  	s26 =	sadd.s32 $0x100, s26;
	v25 =	vld.idx.msk [tilespmem:v33+s30+$0x0], $0xffff;
	[tilespmem:s22+$0xFFFFFFE0] =	vst v24;
	v24 =	vmul.f32 v13, v41;
	v13 =	vmov v42  }
0x1cd: {  	v10 =	vmul.f32 v10, v28  }
0x1ce: {  	v11 =	vmul.f32 v11, v29;
	v24 =	vmul.f32 v24, v5  }
0x1cf: {  	v12 =	vmul.f32 v12, v30;
	v10 =	vmul.f32 v10, v5  }
0x1d0: {  	v14 =	vmul.f32 v14, v31;
	v11 =	vmul.f32 v11, v5;
	[tilespmem:s18+$0xFFFFFFF0] =	vst v24  }
0x1d1: {  	v15 =	vmul.f32 v15, v26;
	[tilespmem:s18+$0x0] =	vst v10;
	v10 =	vmul.f32 v12, v5  }
0x1d2: {  	v12 =	vmul.f32 v14, v5;
	v14 =	vmul.f32 v17, v25;
	[tilespmem:s18+$0x10] =	vst v11;
	v11 =	vld.idx.msk [tilespmem:v18+s30+$0x0], $0xffff  }
0x1d3: {  	v15 =	vmul.f32 v15, v5;
	[tilespmem:s18+$0x20] =	vst v10;
	v10 =	vld.idx.msk [tilespmem:v16+s30+$0x0], $0xffff  }
0x1d4: {  	[tilespmem:s19+$0xFFFFFFC0] =	vst v12;
	v12 =	vmul.f32 v14, v5;
	v14 =	vld.idx.msk [tilespmem:v20+s30+$0x0], $0xffff  }
0x1d5: {  	[tilespmem:s19+$0xFFFFFFD0] =	vst v15;
	v15 =	vld.idx.msk [tilespmem:v19+s30+$0x0], $0xffff  }
0x1d6: {  	[tilespmem:s23+$0xFFFFFFF0] =	vst v6  }
0x1d7: {  	[tilespmem:s23+$0x0] =	vst v7;
	v6 =	vmul.f32 v13, v11  }
0x1d8: {  	[tilespmem:s23+$0x10] =	vst v8;
	v7 =	vmul.f32 v21, v10  }
0x1d9: {  	[tilespmem:s23+$0x20] =	vst v9;
	v6 =	vmul.f32 v6, v5;
	v8 =	vmul.f32 v22, v14  }
0x1da: {  	s17 =	sadd.s32 @!p0 $0x5, s16;
	[tilespmem:s19+$0xFFFFFFE0] =	vst v12;
	v9 =	vmul.f32 v23, v15;
	v7 =	vmul.f32 v7, v5  }
0x1db: {  	s17 =	smin.u32 @!p0 s17, s11;
	[tilespmem:s19+$0xFFFFFFF0] =	vst v6;
	v6 =	vmul.f32 v8, v5  }
0x1dc: {  	s17 =	sadd.s32 @!p0 s9, s17;
	v5 =	vmul.f32 v9, v5;
	[tilespmem:s19+$0x0] =	vst v7  }
0x1dd: {  	s22 =	simm.s32 @!p0 $0x19480;
	s18 =	sshll.u32 @!p0 s17, $0x8;
	[tilespmem:s19+$0x10] =	vst v6  }
0x1de: {  	s17 =	sshll.u32 @!p0 s17, $0x7;
	s18 =	sadd.s32 @!p0 s2, s18;
	[tilespmem:s19+$0x20] =	vst v5;
	s19 =	simm.s32 @!p0 $0x0  }
0x1df: {  	[tilespmem:s22], [sflag:$0x2] =	stream.linear.gather @!p0 [hbm4b:s18+s19], $0x800, $0x38;
	[tilespmem:$0x1FB80] =	vst v63  }
0x1e0: {  	s17 =	sadd.s32 @!p0 s3, s17;
	s18 =	simm.s32 @!p0 $0x1B080  }
0x1e1: {  	[tilespmem:s18], [sflag:$0x2] =	stream.linear.gather @!p0 [hbm4b:s17+s19], $0x400, $0x38;
	[tilespmem:$0x1FB80] =	vst v63  }
0x1e2: {  	_ =	swait.ge [sflag:s12], $0x800  }
0x1e3: {  	[sflag:s12] =	ssyncset.done $0x0  }
0x1e4: {  	[sflag:s12] =	ssyncadd.s32 $0xFFFFF800  }
0x1e5: {  	_ =	swait.ge [sflag:s12], $0x400  }
0x1e6: {  	[sflag:s12] =	ssyncset.done $0x0  }
0x1e7: {  	s22 =	simm.s32 $0x19D00;
	[sflag:s12] =	ssyncadd.s32 $0xFFFFFC00  }
0x1e8: {  	v5 =	vld [tilespmem:s22+$0xFFFFFFF0]  }
0x1e9: {  	v15 =	vld [tilespmem:s22+$0x70]  }
0x1ea: {  	v6 =	vld [tilespmem:s22+$0xFFFFFF90]  }
0x1eb: {  	v7 =	vld [tilespmem:s22+$0xFFFFFFA0]  }
0x1ec: {  	v8 =	vld [tilespmem:s22+$0xFFFFFFB0]  }
0x1ed: {  	v9 =	vld [tilespmem:s22+$0xFFFFFFC0]  }
0x1ee: {  	v10 =	vld [tilespmem:s22+$0xFFFFFFD0]  }
0x1ef: {  	v11 =	vld [tilespmem:s22+$0xFFFFFFE0]  }
0x1f0: {  	s23 =	simm.s32 $0x1B4C0;
	v14 =	vld [tilespmem:s22+$0xFFFFFF80]  }
0x1f1: {  	v16 =	vld [tilespmem:s23+$0x30]  }
0x1f2: {  	v17 =	vld [tilespmem:s22+$0x0]  }
0x1f3: {  	v13 =	vld [tilespmem:s22+$0x10]  }
0x1f4: {  	v21 =	vld [tilespmem:s22+$0x20]  }
0x1f5: {  	v20 =	vld [tilespmem:s22+$0x30]  }
0x1f6: {  	v19 =	vld [tilespmem:s22+$0x40]  }
0x1f7: {  	v24 =	vld [tilespmem:s23+$0xFFFFFFE0]  }
0x1f8: {  	v36 =	vld [tilespmem:s23+$0xFFFFFFF0]  }
0x1f9: {  	v37 =	vld [tilespmem:s23+$0x0]  }
0x1fa: {  	v38 =	vld [tilespmem:s23+$0x10]  }
0x1fb: {  	s25 =	simm.s32 $0x19E00;
	v39 =	vld [tilespmem:s23+$0x20]  }
0x1fc: {  	v43 =	vld [tilespmem:s25+$0x70]  }
0x1fd: {  	v44 =	vld [tilespmem:s25+$0xFFFFFFB0]  }
0x1fe: {  	v45 =	vld [tilespmem:s25+$0xFFFFFFC0]  }
0x1ff: {  	v46 =	vld [tilespmem:s25+$0xFFFFFFD0]  }
0x200: {  	v47 =	vld [tilespmem:s25+$0xFFFFFFE0]  }
0x201: {  	v49 =	vld [tilespmem:s25+$0xFFFFFF80]  }
0x202: {  	s17 =	simm.s32 $0x1B540;
	v26 =	vld [tilespmem:s25+$0x0]  }
0x203: {  	v56 =	vld [tilespmem:s17+$0xFFFFFFC0]  }
0x204: {  	v12 =	vld.idx.msk [tilespmem:v5+s7+$0x0], $0xffff  }
0x205: {  	v5 =	vld.idx.msk [tilespmem:v15+s7+$0x0], $0xffff  }
0x206: {  	v14 =	vld.idx.msk [tilespmem:v14+s7+$0x0], $0xffff  }
0x207: {  	v22 =	vld.idx.msk [tilespmem:v6+s7+$0x0], $0xffff  }
0x208: {  	v23 =	vld.idx.msk [tilespmem:v7+s7+$0x0], $0xffff  }
0x209: {  	v28 =	vld.idx.msk [tilespmem:v8+s7+$0x0], $0xffff  }
0x20a: {  	v29 =	vld.idx.msk [tilespmem:v9+s7+$0x0], $0xffff;
	v18 =	vshll.u32 v12, $0x2  }
0x20b: {  	v30 =	vld.idx.msk [tilespmem:v10+s7+$0x0], $0xffff;
	v5 =	vshll.u32 v5, $0x6;
	v18 =	vand.u32 $0x3C, v18  }
0x20c: {  	v31 =	vld.idx.msk [tilespmem:v11+s7+$0x0], $0xffff;
	v5 =	vand.u32 $0x3C0, v5;
	v16 =	vor.u32 v16, v18  }
0x20d: {  	v6 =	vld.idx.msk [tilespmem:v13+s7+$0x0], $0xffff;
	v5 =	vor.u32 v5, v16  }
0x20e: {  	v7 =	vld.idx.msk [tilespmem:v21+s7+$0x0], $0xffff  }
0x20f: {  	v8 =	vld [tilespmem:s23+$0xFFFFFFC0]  }
0x210: {  	v9 =	vld [tilespmem:s23+$0xFFFFFFD0]  }
0x211: {  	v18 =	vld [tilespmem:s22+$0x50]  }
0x212: {  	v10 =	vshll.u32 v14, $0x2;
	v27 =	vld.idx.msk [tilespmem:v5+s30+$0x0], $0xffff  }
0x213: {  	v10 =	vand.u32 $0x3C, v10;
	v5 =	vld.idx.msk [tilespmem:v17+s7+$0x0], $0xffff  }
0x214: {  	v8 =	vor.u32 v8, v10;
	v10 =	vld [tilespmem:s25+$0xFFFFFF90]  }
0x215: {  	v16 =	vld [tilespmem:s22+$0x60]  }
0x216: {  	v32 =	vld.idx.msk [tilespmem:v20+s7+$0x0], $0xffff  }
0x217: {  	v33 =	vld.idx.msk [tilespmem:v19+s7+$0x0], $0xffff  }
0x218: {  	v49 =	vld.idx.msk [tilespmem:v49+s7+$0x0], $0xffff;
	v11 =	vshll.u32 v22, $0x2;
	v5 =	vshll.u32 v5, $0x6  }
0x219: {  	v59 =	vld.idx.msk [tilespmem:v45+s7+$0x0], $0xffff;
	v25 =	vshll.u32 v23, $0x2;
	v6 =	vshll.u32 v6, $0x6;
	v5 =	vand.u32 $0x3C0, v5  }
0x21a: {  	v45 =	vld.idx.msk [tilespmem:v46+s7+$0x0], $0xffff;
	v7 =	vshll.u32 v7, $0x6;
	v12 =	vand.u32 $0xFFFFFFF0, v12;
	v5 =	vor.u32 v5, v8  }
0x21b: {  	v51 =	vshll.u32 v28, $0x2;
	v57 =	vshll.u32 v29, $0x2;
	v32 =	vshll.u32 v32, $0x6;
	v34 =	vld.idx.msk [tilespmem:v18+s7+$0x0], $0xffff  }
0x21c: {  	v33 =	vshll.u32 v33, $0x6;
	v11 =	vand.u32 $0x3C, v11;
	v25 =	vand.u32 $0x3C, v25;
	v52 =	vld.idx.msk [tilespmem:v10+s7+$0x0], $0xffff  }
0x21d: {  	v6 =	vand.u32 $0x3C0, v6;
	v7 =	vand.u32 $0x3C0, v7;
	v32 =	vand.u32 $0x3C0, v32;
	v35 =	vld.idx.msk [tilespmem:v16+s7+$0x0], $0xffff  }
0x21e: {  	v33 =	vand.u32 $0x3C0, v33;
	v12 =	vmul.f32 v12, v27;
	v8 =	vor.u32 v9, v11;
	v11 =	vld [tilespmem:s25+$0xFFFFFFA0]  }
0x21f: {  	v27 =	vand.u32 $0xFFFFFFF0, v28;
	v28 =	vand.u32 $0x3C, v51;
	v51 =	vand.u32 $0x3C, v57;
	v40 =	vld.idx.msk [tilespmem:v5+s30+$0x0], $0xffff  }
0x220: {  	v28 =	vor.u32 v36, v28;
	v37 =	vor.u32 v37, v51;
	v6 =	vor.u32 v6, v8;
	v5 =	vld [tilespmem:s25+$0xFFFFFFF0]  }
0x221: {  	v28 =	vor.u32 v32, v28;
	v32 =	vor.u32 v33, v37;
	v33 =	vld.idx.msk [tilespmem:v26+s7+$0x0], $0xffff;
	v8 =	vor.u32 v24, v25  }
0x222: {  	v25 =	vld [tilespmem:s25+$0x10];
	v7 =	vor.u32 v7, v8  }
0x223: {  	v24 =	vld [tilespmem:s25+$0x20]  }
0x224: {  	v8 =	vld [tilespmem:s17+$0x30]  }
0x225: {  	v41 =	vld.idx.msk [tilespmem:v6+s30+$0x0], $0xffff  }
0x226: {  	v6 =	vld [tilespmem:s25+$0x30]  }
0x227: {  	v42 =	vld.idx.msk [tilespmem:v7+s30+$0x0], $0xffff  }
0x228: {  	v14 =	vand.u32 $0xFFFFFFF0, v14;
	v48 =	vld.idx.msk [tilespmem:v5+s7+$0x0], $0xffff  }
0x229: {  	v22 =	vand.u32 $0xFFFFFFF0, v22;
	v23 =	vand.u32 $0xFFFFFFF0, v23;
	v58 =	vshll.u32 v31, $0x2;
	v5 =	vld.idx.msk [tilespmem:v43+s7+$0x0], $0xffff  }
0x22a: {  	s26 =	simm.s32 $0x1C4C0;
	v10 =	vand.u32 $0xFFFFFFF0, v29;
	v36 =	vand.u32 $0x3C, v58;
	v34 =	vshll.u32 v34, $0x6;
	v29 =	vld.idx.msk [tilespmem:v11+s7+$0x0], $0xffff  }
0x22b: {  	[tilespmem:s26+$0x30] =	vst v15;
	v60 =	vor.u32 v39, v36;
	v15 =	vand.u32 $0xFFFFFFF0, v52;
	v35 =	vshll.u32 v35, $0x6;
	v37 =	vld.idx.msk [tilespmem:v25+s7+$0x0], $0xffff  }
0x22c: {  	v34 =	vand.u32 $0x3C0, v34;
	v35 =	vand.u32 $0x3C0, v35;
	v33 =	vshll.u32 v33, $0x6;
	v36 =	vld.idx.msk [tilespmem:v24+s7+$0x0], $0xffff  }
0x22d: {  	v46 =	vld.idx.msk [tilespmem:v47+s7+$0x0], $0xffff;
	[tilespmem:s26+$0xFFFFFFE0] =	vst v21;
	v21 =	vand.u32 $0xFFFFFFF0, v59;
	v11 =	vand.u32 $0xFFFFFFF0, v30;
	v7 =	vshll.u32 v48, $0x2  }
0x22e: {  	v58 =	vld [tilespmem:s17+$0xFFFFFFD0];
	v14 =	vmul.f32 v14, v40;
	v5 =	vshll.u32 v5, $0x6;
	v9 =	vand.u32 $0x3C, v7  }
0x22f: {  	p1 =	slt.u32 s16, s21;
	s19 =	simm.f32 $1.000000000e+00;
	v54 =	vld.idx.msk [tilespmem:v28+s30+$0x0], $0xffff;
	v22 =	vmul.f32 v22, v41;
	v50 =	vand.u32 $0x3C0, v5;
	v9 =	vor.u32 v8, v9  }
0x230: {  	s19 =	simm.s32 @!p1 $0x0;
	[tilespmem:s26+$0xFFFFFFC0] =	vst v17;
	v23 =	vmul.f32 v23, v42;
	v17 =	vand.u32 $0xFFFFFFF0, v29;
	v39 =	vld.idx.msk [tilespmem:v6+s7+$0x0], $0xffff;
	v50 =	vor.u32 v50, v9  }
0x231: {  	v37 =	vshll.u32 v37, $0x6;
	v36 =	vshll.u32 v36, $0x6;
	v7 =	vld [tilespmem:s25+$0x40];
	v5 =	vmov s19  }
0x232: {  	v48 =	vand.u32 $0xFFFFFFF0, v48;
	v8 =	vld [tilespmem:s25+$0x50];
	v53 =	vmul.f32 v12, v5;
	v61 =	vmul.f32 v14, v5  }
0x233: {  	v12 =	vshll.u32 v30, $0x2;
	v62 =	vmul.f32 v22, v5;
	v23 =	vmul.f32 v23, v5;
	v9 =	vld [tilespmem:s25+$0x60]  }
0x234: {  	s18 =	simm.s32 $0x1D4C0;
	[tilespmem:s26+$0xFFFFFFD0] =	vst v13;
	v22 =	vshll.u32 v49, $0x2;
	v30 =	vand.u32 $0x3C, v12;
	v12 =	vand.u32 $0xFFFFFFF0, v31;
	v31 =	vld.idx.msk [tilespmem:v44+s7+$0x0], $0xffff  }
0x235: {  	v63 =	vand.u32 $0x3C, v22;
	v22 =	vshll.u32 v52, $0x2;
	v30 =	vor.u32 v38, v30;
	[tilespmem:s18+$0xFFFFFFC0] =	vst v61;
	v50 =	vld.idx.msk [tilespmem:v50+s30+$0x0], $0xffff  }
0x236: {  	v52 =	vld [tilespmem:s17+$0x0];
	v47 =	vand.u32 $0x3C, v22;
	v22 =	vshll.u32 v29, $0x2;
	[tilespmem:s18+$0xFFFFFFE0] =	vst v23;
	v23 =	vand.u32 $0x3C0, v33  }
0x237: {  	[tilespmem:s18+$0xFFFFFFD0] =	vst v62;
	v61 =	vand.u32 $0x3C0, v37;
	v62 =	vor.u32 v56, v63;
	v63 =	vld [tilespmem:s17+$0x10];
	v30 =	vor.u32 v34, v30  }
0x238: {  	v34 =	vor.u32 v35, v60;
	v57 =	vand.u32 $0x3C, v22;
	v22 =	vshll.u32 v59, $0x2;
	v59 =	vld [tilespmem:s17+$0xFFFFFFE0]  }
0x239: {  	v60 =	vshll.u32 v45, $0x2;
	v35 =	vand.u32 $0x3C, v22;
	v22 =	vand.u32 $0xFFFFFFF0, v45;
	v45 =	vld [tilespmem:s17+$0xFFFFFFF0]  }
0x23a: {  	v37 =	vor.u32 v23, v62;
	v23 =	vor.u32 v58, v47;
	v40 =	vld.idx.msk [tilespmem:v7+s7+$0x0], $0xffff;
	v29 =	vmul.f32 v48, v50  }
0x23b: {  	[tilespmem:s26+$0xFFFFFFF0] =	vst v20;
	v14 =	vand.u32 $0xFFFFFFF0, v49;
	v38 =	vand.u32 $0x3C, v60;
	v33 =	vor.u32 v61, v23;
	v42 =	vld.idx.msk [tilespmem:v8+s7+$0x0], $0xffff  }
0x23c: {  	s22 =	simm.s32 $0x1C540;
	[tilespmem:s18+$0x30] =	vst v53;
	v55 =	vshll.u32 v31, $0x2;
	v13 =	vand.u32 $0xFFFFFFF0, v31;
	v49 =	vld.idx.msk [tilespmem:v9+s7+$0x0], $0xffff;
	v29 =	vmul.f32 v29, v5  }
0x23d: {  	s19 =	simm.s32 $0x1D540;
	[tilespmem:s22+$0x30] =	vst v43;
	v35 =	vor.u32 v52, v35;
	v31 =	vand.u32 $0x3C, v55;
	v55 =	vshll.u32 v46, $0x2;
	v50 =	vld [tilespmem:s17+$0x20]  }
0x23e: {  	v63 =	vor.u32 v63, v38;
	v53 =	vor.u32 v59, v57;
	[tilespmem:s19+$0x30] =	vst v29;
	v29 =	vand.u32 $0x3C0, v36  }
0x23f: {  	v28 =	vld.idx.msk [tilespmem:v32+s30+$0x0], $0xffff;
	[tilespmem:s26+$0x0] =	vst v19;
	v57 =	vshll.u32 v39, $0x6;
	v58 =	vshll.u32 v40, $0x6;
	v20 =	vor.u32 v29, v53  }
0x240: {  	v56 =	vand.u32 $0x3C, v55;
	v19 =	vand.u32 $0x3C0, v57;
	v59 =	vand.u32 $0x3C0, v58;
	v29 =	vld.idx.msk [tilespmem:v30+s30+$0x0], $0xffff;
	[tilespmem:s26+$0x10] =	vst v18  }
0x241: {  	v60 =	vshll.u32 v42, $0x6;
	v62 =	vshll.u32 v49, $0x6;
	v30 =	vld.idx.msk [tilespmem:v34+s30+$0x0], $0xffff;
	v18 =	vor.u32 v45, v31;
	[tilespmem:s26+$0x20] =	vst v16  }
0x242: {  	v31 =	vld.idx.msk [tilespmem:v37+s30+$0x0], $0xffff;
	[tilespmem:s22+$0xFFFFFFC0] =	vst v26;
	v32 =	vor.u32 v50, v56;
	v18 =	vor.u32 v19, v18;
	v19 =	vand.u32 $0x3C0, v62  }
0x243: {  	v61 =	vand.u32 $0x3C0, v60;
	v16 =	vor.u32 v59, v35;
	v26 =	vld.idx.msk [tilespmem:v33+s30+$0x0], $0xffff;
	[tilespmem:s22+$0xFFFFFFD0] =	vst v25;
	v19 =	vor.u32 v19, v32  }
0x244: {  	s23 =	simm.s32 $0x1C540;
	s25 =	simm.s32 $0x8;
	v23 =	vand.u32 $0xFFFFFFF0, v46;
	s26 =	simm.s32 $0x19F00;
	v25 =	vld.idx.msk [tilespmem:v20+s30+$0x0], $0xffff;
	v20 =	vor.u32 v61, v63;
	[tilespmem:s22+$0xFFFFFFE0] =	vst v24;
	v24 =	vmul.f32 v27, v54  }
.LBB2_15:
0x245: {  	v27 =	vld [tilespmem:s26+$0xFFFFFFF0];
	s25 =	sadd.s32 $0x8, s25;
	v28 =	vmul.f32 v10, v28;
	v10 =	vmov v21  }
0x246: {  	v32 =	vld [tilespmem:s26+$0x70];
	p1 =	slt.u32 s25, $0x38;
	v21 =	vmul.f32 v24, v5;
	v24 =	vmul.f32 v11, v29;
	v11 =	vmov v22  }
0x247: {  	v29 =	vmul.f32 v12, v30;
	v12 =	vmov v23;
	v22 =	vld [tilespmem:s26+$0xFFFFFF90];
	v28 =	vmul.f32 v28, v5  }
0x248: {  	v14 =	vmul.f32 v14, v31;
	v23 =	vld [tilespmem:s26+$0xFFFFFFA0];
	[tilespmem:s18+$0xFFFFFFF0] =	vst v21;
	v21 =	vmul.f32 v24, v5  }
0x249: {  	v15 =	vmul.f32 v15, v26;
	v24 =	vmul.f32 v29, v5;
	v30 =	vld [tilespmem:s26+$0xFFFFFFB0];
	[tilespmem:s18+$0x0] =	vst v28  }
0x24a: {  	v14 =	vmul.f32 v14, v5;
	v17 =	vmul.f32 v17, v25;
	v28 =	vld [tilespmem:s26+$0xFFFFFFC0];
	[tilespmem:s18+$0x10] =	vst v21  }
0x24b: {  	v15 =	vmul.f32 v15, v5;
	v21 =	vld [tilespmem:s26+$0xFFFFFFD0];
	[tilespmem:s18+$0x20] =	vst v24;
	s18 =	smov.u32 s19  }
0x24c: {  	v29 =	vld [tilespmem:s26+$0xFFFFFFE0];
	[tilespmem:s19+$0xFFFFFFC0] =	vst v14;
	v14 =	vmul.f32 v17, v5  }
0x24d: {  	v17 =	vld.idx.msk [tilespmem:v27+s7+$0x0], $0xffff;
	[tilespmem:s19+$0xFFFFFFD0] =	vst v15  }
0x24e: {  	v15 =	vld.idx.msk [tilespmem:v32+s7+$0x0], $0xffff;
	[tilespmem:s19+$0xFFFFFFE0] =	vst v14  }
0x24f: {  	s17 =	sadd.s32 $0x80, s17;
	v14 =	vld [tilespmem:s26+$0xFFFFFF80]  }
0x250: {  	v27 =	vld [tilespmem:s17+$0x30]  }
0x251: {  	v26 =	vld [tilespmem:s26+$0x0]  }
0x252: {  	v25 =	vld [tilespmem:s26+$0x10]  }
0x253: {  	v31 =	vshll.u32 v17, $0x2;
	v24 =	vld [tilespmem:s26+$0x20]  }
0x254: {  	v15 =	vshll.u32 v15, $0x6;
	v31 =	vand.u32 $0x3C, v31;
	v33 =	vld [tilespmem:s26+$0x30]  }
0x255: {  	v15 =	vand.u32 $0x3C0, v15;
	v34 =	vld [tilespmem:s26+$0x40];
	v27 =	vor.u32 v27, v31  }
0x256: {  	v31 =	vld [tilespmem:s26+$0x50];
	v15 =	vor.u32 v15, v27  }
0x257: {  	v27 =	vld [tilespmem:s26+$0x60]  }
0x258: {  	v35 =	vld.idx.msk [tilespmem:v14+s7+$0x0], $0xffff  }
0x259: {  	v22 =	vld.idx.msk [tilespmem:v22+s7+$0x0], $0xffff  }
0x25a: {  	v23 =	vld.idx.msk [tilespmem:v23+s7+$0x0], $0xffff  }
0x25b: {  	v36 =	vld.idx.msk [tilespmem:v15+s30+$0x0], $0xffff  }
0x25c: {  	v30 =	vld.idx.msk [tilespmem:v30+s7+$0x0], $0xffff  }
0x25d: {  	v28 =	vld.idx.msk [tilespmem:v28+s7+$0x0], $0xffff  }
0x25e: {  	v14 =	vand.u32 $0xFFFFFFF0, v35;
	v15 =	vshll.u32 v35, $0x2;
	v35 =	vld.idx.msk [tilespmem:v21+s7+$0x0], $0xffff  }
0x25f: {  	v37 =	vand.u32 $0x3C, v15;
	v15 =	vand.u32 $0xFFFFFFF0, v22;
	v21 =	vshll.u32 v22, $0x2;
	v29 =	vld.idx.msk [tilespmem:v29+s7+$0x0], $0xffff  }
0x260: {  	v22 =	vand.u32 $0xFFFFFFF0, v17;
	v39 =	vand.u32 $0x3C, v21;
	v21 =	vshll.u32 v23, $0x2;
	v38 =	vld.idx.msk [tilespmem:v26+s7+$0x0], $0xffff  }
0x261: {  	v17 =	vand.u32 $0xFFFFFFF0, v23;
	v41 =	vand.u32 $0x3C, v21;
	v21 =	vmul.f32 v22, v36;
	v40 =	vld.idx.msk [tilespmem:v25+s7+$0x0], $0xffff  }
0x262: {  	v42 =	vand.u32 $0xFFFFFFF0, v30;
	v22 =	vshll.u32 v30, $0x2;
	v36 =	vld.idx.msk [tilespmem:v24+s7+$0x0], $0xffff  }
0x263: {  	s22 =	sadd.s32 $0x80, s22;
	v43 =	vand.u32 $0x3C, v22;
	v22 =	vshll.u32 v28, $0x2;
	v23 =	vmul.f32 v21, v5;
	v30 =	vld.idx.msk [tilespmem:v33+s7+$0x0], $0xffff  }
0x264: {  	s19 =	sadd.s32 $0x80, s19;
	v21 =	vand.u32 $0xFFFFFFF0, v28;
	v45 =	vand.u32 $0x3C, v22;
	v28 =	vshll.u32 v35, $0x2;
	v44 =	vld.idx.msk [tilespmem:v34+s7+$0x0], $0xffff;
	[tilespmem:s22+$0x30] =	vst v32  }
0x265: {  	v22 =	vand.u32 $0xFFFFFFF0, v35;
	v35 =	vand.u32 $0x3C, v28;
	v28 =	vshll.u32 v29, $0x2;
	v32 =	vld.idx.msk [tilespmem:v31+s7+$0x0], $0xffff;
	[tilespmem:s19+$0x30] =	vst v23  }
0x266: {  	v38 =	vshll.u32 v38, $0x6;
	v23 =	vand.u32 $0xFFFFFFF0, v29;
	v47 =	vand.u32 $0x3C, v28;
	v46 =	vld.idx.msk [tilespmem:v27+s7+$0x0], $0xffff  }
0x267: {  	v29 =	vand.u32 $0x3C0, v38;
	v38 =	vshll.u32 v40, $0x6;
	v28 =	vld [tilespmem:s17+$0xFFFFFFC0]  }
0x268: {  	v38 =	vand.u32 $0x3C0, v38;
	v36 =	vshll.u32 v36, $0x6;
	v40 =	vld [tilespmem:s17+$0xFFFFFFD0]  }
0x269: {  	v36 =	vand.u32 $0x3C0, v36;
	v30 =	vshll.u32 v30, $0x6;
	v48 =	vld [tilespmem:s17+$0xFFFFFFE0]  }
0x26a: {  	v30 =	vand.u32 $0x3C0, v30;
	v44 =	vshll.u32 v44, $0x6;
	v49 =	vld [tilespmem:s17+$0xFFFFFFF0]  }
0x26b: {  	v44 =	vand.u32 $0x3C0, v44;
	v32 =	vshll.u32 v32, $0x6;
	v50 =	vld [tilespmem:s17+$0x0]  }
0x26c: {  	v32 =	vand.u32 $0x3C0, v32;
	v46 =	vshll.u32 v46, $0x6;
	v28 =	vor.u32 v28, v37;
	v37 =	vld [tilespmem:s17+$0x10]  }
0x26d: {  	v51 =	vor.u32 v29, v28;
	v28 =	vor.u32 v40, v39;
	v39 =	vld [tilespmem:s17+$0x20];
	v40 =	vand.u32 $0x3C0, v46  }
0x26e: {  	v38 =	vor.u32 v38, v28;
	v28 =	vor.u32 v48, v41;
	v41 =	vld.idx.msk [tilespmem:v18+s30+$0x0], $0xffff;
	[tilespmem:s23+$0xFFFFFFF0] =	vst v6;
	v6 =	vmov v33  }
0x26f: {  	v33 =	vor.u32 v36, v28;
	v18 =	vor.u32 v49, v43;
	v28 =	vld.idx.msk [tilespmem:v16+s30+$0x0], $0xffff;
	[tilespmem:s23+$0x0] =	vst v7;
	v7 =	vmov v34  }
.Ltmp8:
0x270: {  	v18 =	vor.u32 v30, v18;
	v16 =	vor.u32 v50, v45;
	v29 =	vld.idx.msk [tilespmem:v20+s30+$0x0], $0xffff;
	[tilespmem:s23+$0x10] =	vst v8;
	v8 =	vmov v31;
	(pc) =	sbr.rel @p1 .LBB2_15-.Ltmp8, $4  }
0x271: {  	v16 =	vor.u32 v44, v16;
	v20 =	vor.u32 v37, v35;
	v30 =	vld.idx.msk [tilespmem:v19+s30+$0x0], $0xffff;
	[tilespmem:s23+$0x20] =	vst v9;
	v9 =	vmov v27;
	s23 =	smov.u32 s22  }
0x272: {  	v31 =	vld.idx.msk [tilespmem:v51+s30+$0x0], $0xffff;
	[tilespmem:s22+$0xFFFFFFC0] =	vst v26;
	v20 =	vor.u32 v32, v20;
	v19 =	vor.u32 v39, v47  }
0x273: {  	v26 =	vld.idx.msk [tilespmem:v38+s30+$0x0], $0xffff;
	[tilespmem:s22+$0xFFFFFFD0] =	vst v25;
	v19 =	vor.u32 v40, v19  }
0x274: {  	s26 =	sadd.s32 $0x100, s26;
	v25 =	vld.idx.msk [tilespmem:v33+s30+$0x0], $0xffff;
	[tilespmem:s22+$0xFFFFFFE0] =	vst v24;
	v24 =	vmul.f32 v13, v41;
	v13 =	vmov v42  }
0x275: {  	v10 =	vmul.f32 v10, v28  }
0x276: {  	v11 =	vmul.f32 v11, v29;
	v24 =	vmul.f32 v24, v5  }
0x277: {  	v12 =	vmul.f32 v12, v30;
	v10 =	vmul.f32 v10, v5  }
0x278: {  	v14 =	vmul.f32 v14, v31;
	v11 =	vmul.f32 v11, v5;
	[tilespmem:s18+$0xFFFFFFF0] =	vst v24  }
0x279: {  	v15 =	vmul.f32 v15, v26;
	[tilespmem:s18+$0x0] =	vst v10;
	v10 =	vmul.f32 v12, v5  }
0x27a: {  	v12 =	vmul.f32 v14, v5;
	v14 =	vmul.f32 v17, v25;
	[tilespmem:s18+$0x10] =	vst v11;
	v11 =	vld.idx.msk [tilespmem:v18+s30+$0x0], $0xffff  }
0x27b: {  	v15 =	vmul.f32 v15, v5;
	[tilespmem:s18+$0x20] =	vst v10;
	v10 =	vld.idx.msk [tilespmem:v16+s30+$0x0], $0xffff  }
0x27c: {  	[tilespmem:s19+$0xFFFFFFC0] =	vst v12;
	v12 =	vmul.f32 v14, v5;
	v14 =	vld.idx.msk [tilespmem:v20+s30+$0x0], $0xffff  }
0x27d: {  	[tilespmem:s19+$0xFFFFFFD0] =	vst v15;
	v15 =	vld.idx.msk [tilespmem:v19+s30+$0x0], $0xffff  }
0x27e: {  	[tilespmem:s23+$0xFFFFFFF0] =	vst v6  }
0x27f: {  	[tilespmem:s23+$0x0] =	vst v7;
	v6 =	vmul.f32 v13, v11  }
0x280: {  	[tilespmem:s23+$0x10] =	vst v8;
	v7 =	vmul.f32 v21, v10  }
0x281: {  	[tilespmem:s23+$0x20] =	vst v9;
	v6 =	vmul.f32 v6, v5;
	v8 =	vmul.f32 v22, v14  }
0x282: {  	s17 =	sadd.s32 @!p0 $0x6, s16;
	[tilespmem:s19+$0xFFFFFFE0] =	vst v12;
	v9 =	vmul.f32 v23, v15;
	v7 =	vmul.f32 v7, v5  }
0x283: {  	s17 =	smin.u32 @!p0 s17, s11;
	[tilespmem:s19+$0xFFFFFFF0] =	vst v6;
	v6 =	vmul.f32 v8, v5  }
0x284: {  	s17 =	sadd.s32 @!p0 s9, s17;
	v5 =	vmul.f32 v9, v5;
	[tilespmem:s19+$0x0] =	vst v7  }
0x285: {  	s22 =	simm.s32 @!p0 $0x19C80;
	s18 =	sshll.u32 @!p0 s17, $0x8;
	[tilespmem:s19+$0x10] =	vst v6  }
0x286: {  	s17 =	sshll.u32 @!p0 s17, $0x7;
	s18 =	sadd.s32 @!p0 s2, s18;
	[tilespmem:s19+$0x20] =	vst v5;
	s19 =	simm.s32 @!p0 $0x0  }
0x287: {  	[tilespmem:s22], [sflag:$0x3] =	stream.linear.gather @!p0 [hbm4b:s18+s19], $0x800, $0x38;
	[tilespmem:$0x1FB80] =	vst v63  }
0x288: {  	s17 =	sadd.s32 @!p0 s3, s17;
	s18 =	simm.s32 @!p0 $0x1B480  }
0x289: {  	[tilespmem:s18], [sflag:$0x3] =	stream.linear.gather @!p0 [hbm4b:s17+s19], $0x400, $0x38;
	[tilespmem:$0x1FB80] =	vst v63  }
0x28a: {  	_ =	swait.ge [sflag:s13], $0x800  }
0x28b: {  	[sflag:s13] =	ssyncset.done $0x0  }
0x28c: {  	[sflag:s13] =	ssyncadd.s32 $0xFFFFF800  }
0x28d: {  	_ =	swait.ge [sflag:s13], $0x400  }
0x28e: {  	[sflag:s13] =	ssyncset.done $0x0  }
0x28f: {  	s22 =	simm.s32 $0x1A500;
	[sflag:s13] =	ssyncadd.s32 $0xFFFFFC00  }
0x290: {  	v5 =	vld [tilespmem:s22+$0xFFFFFFF0]  }
0x291: {  	v15 =	vld [tilespmem:s22+$0x70]  }
0x292: {  	v6 =	vld [tilespmem:s22+$0xFFFFFF90]  }
0x293: {  	v7 =	vld [tilespmem:s22+$0xFFFFFFA0]  }
0x294: {  	v8 =	vld [tilespmem:s22+$0xFFFFFFB0]  }
0x295: {  	v9 =	vld [tilespmem:s22+$0xFFFFFFC0]  }
0x296: {  	v10 =	vld [tilespmem:s22+$0xFFFFFFD0]  }
0x297: {  	v11 =	vld [tilespmem:s22+$0xFFFFFFE0]  }
0x298: {  	s23 =	simm.s32 $0x1B8C0;
	v14 =	vld [tilespmem:s22+$0xFFFFFF80]  }
0x299: {  	v16 =	vld [tilespmem:s23+$0x30]  }
0x29a: {  	v17 =	vld [tilespmem:s22+$0x0]  }
0x29b: {  	v13 =	vld [tilespmem:s22+$0x10]  }
0x29c: {  	v21 =	vld [tilespmem:s22+$0x20]  }
0x29d: {  	v20 =	vld [tilespmem:s22+$0x30]  }
0x29e: {  	v19 =	vld [tilespmem:s22+$0x40]  }
0x29f: {  	v24 =	vld [tilespmem:s23+$0xFFFFFFE0]  }
0x2a0: {  	v36 =	vld [tilespmem:s23+$0xFFFFFFF0]  }
0x2a1: {  	v37 =	vld [tilespmem:s23+$0x0]  }
0x2a2: {  	v38 =	vld [tilespmem:s23+$0x10]  }
0x2a3: {  	s25 =	simm.s32 $0x1A600;
	v39 =	vld [tilespmem:s23+$0x20]  }
0x2a4: {  	v43 =	vld [tilespmem:s25+$0x70]  }
0x2a5: {  	v44 =	vld [tilespmem:s25+$0xFFFFFFB0]  }
0x2a6: {  	v45 =	vld [tilespmem:s25+$0xFFFFFFC0]  }
0x2a7: {  	v46 =	vld [tilespmem:s25+$0xFFFFFFD0]  }
0x2a8: {  	v47 =	vld [tilespmem:s25+$0xFFFFFFE0]  }
0x2a9: {  	v49 =	vld [tilespmem:s25+$0xFFFFFF80]  }
0x2aa: {  	s17 =	simm.s32 $0x1B940;
	v26 =	vld [tilespmem:s25+$0x0]  }
0x2ab: {  	v56 =	vld [tilespmem:s17+$0xFFFFFFC0]  }
0x2ac: {  	v12 =	vld.idx.msk [tilespmem:v5+s7+$0x0], $0xffff  }
0x2ad: {  	v5 =	vld.idx.msk [tilespmem:v15+s7+$0x0], $0xffff  }
0x2ae: {  	v14 =	vld.idx.msk [tilespmem:v14+s7+$0x0], $0xffff  }
0x2af: {  	v22 =	vld.idx.msk [tilespmem:v6+s7+$0x0], $0xffff  }
0x2b0: {  	v23 =	vld.idx.msk [tilespmem:v7+s7+$0x0], $0xffff  }
0x2b1: {  	v28 =	vld.idx.msk [tilespmem:v8+s7+$0x0], $0xffff  }
0x2b2: {  	v29 =	vld.idx.msk [tilespmem:v9+s7+$0x0], $0xffff;
	v18 =	vshll.u32 v12, $0x2  }
0x2b3: {  	v30 =	vld.idx.msk [tilespmem:v10+s7+$0x0], $0xffff;
	v5 =	vshll.u32 v5, $0x6;
	v18 =	vand.u32 $0x3C, v18  }
0x2b4: {  	v31 =	vld.idx.msk [tilespmem:v11+s7+$0x0], $0xffff;
	v5 =	vand.u32 $0x3C0, v5;
	v16 =	vor.u32 v16, v18  }
0x2b5: {  	v6 =	vld.idx.msk [tilespmem:v13+s7+$0x0], $0xffff;
	v5 =	vor.u32 v5, v16  }
0x2b6: {  	v7 =	vld.idx.msk [tilespmem:v21+s7+$0x0], $0xffff  }
0x2b7: {  	v8 =	vld [tilespmem:s23+$0xFFFFFFC0]  }
0x2b8: {  	v9 =	vld [tilespmem:s23+$0xFFFFFFD0]  }
0x2b9: {  	v18 =	vld [tilespmem:s22+$0x50]  }
0x2ba: {  	v10 =	vshll.u32 v14, $0x2;
	v27 =	vld.idx.msk [tilespmem:v5+s30+$0x0], $0xffff  }
0x2bb: {  	v10 =	vand.u32 $0x3C, v10;
	v5 =	vld.idx.msk [tilespmem:v17+s7+$0x0], $0xffff  }
0x2bc: {  	v8 =	vor.u32 v8, v10;
	v10 =	vld [tilespmem:s25+$0xFFFFFF90]  }
0x2bd: {  	v16 =	vld [tilespmem:s22+$0x60]  }
0x2be: {  	v32 =	vld.idx.msk [tilespmem:v20+s7+$0x0], $0xffff  }
0x2bf: {  	v33 =	vld.idx.msk [tilespmem:v19+s7+$0x0], $0xffff  }
0x2c0: {  	v49 =	vld.idx.msk [tilespmem:v49+s7+$0x0], $0xffff;
	v11 =	vshll.u32 v22, $0x2;
	v5 =	vshll.u32 v5, $0x6  }
0x2c1: {  	v59 =	vld.idx.msk [tilespmem:v45+s7+$0x0], $0xffff;
	v25 =	vshll.u32 v23, $0x2;
	v6 =	vshll.u32 v6, $0x6;
	v5 =	vand.u32 $0x3C0, v5  }
0x2c2: {  	v45 =	vld.idx.msk [tilespmem:v46+s7+$0x0], $0xffff;
	v7 =	vshll.u32 v7, $0x6;
	v12 =	vand.u32 $0xFFFFFFF0, v12;
	v5 =	vor.u32 v5, v8  }
0x2c3: {  	v51 =	vshll.u32 v28, $0x2;
	v57 =	vshll.u32 v29, $0x2;
	v32 =	vshll.u32 v32, $0x6;
	v34 =	vld.idx.msk [tilespmem:v18+s7+$0x0], $0xffff  }
0x2c4: {  	v33 =	vshll.u32 v33, $0x6;
	v11 =	vand.u32 $0x3C, v11;
	v25 =	vand.u32 $0x3C, v25;
	v52 =	vld.idx.msk [tilespmem:v10+s7+$0x0], $0xffff  }
0x2c5: {  	v6 =	vand.u32 $0x3C0, v6;
	v7 =	vand.u32 $0x3C0, v7;
	v32 =	vand.u32 $0x3C0, v32;
	v35 =	vld.idx.msk [tilespmem:v16+s7+$0x0], $0xffff  }
0x2c6: {  	v33 =	vand.u32 $0x3C0, v33;
	v12 =	vmul.f32 v12, v27;
	v8 =	vor.u32 v9, v11;
	v11 =	vld [tilespmem:s25+$0xFFFFFFA0]  }
0x2c7: {  	v27 =	vand.u32 $0xFFFFFFF0, v28;
	v28 =	vand.u32 $0x3C, v51;
	v51 =	vand.u32 $0x3C, v57;
	v40 =	vld.idx.msk [tilespmem:v5+s30+$0x0], $0xffff  }
0x2c8: {  	v28 =	vor.u32 v36, v28;
	v37 =	vor.u32 v37, v51;
	v6 =	vor.u32 v6, v8;
	v5 =	vld [tilespmem:s25+$0xFFFFFFF0]  }
0x2c9: {  	v28 =	vor.u32 v32, v28;
	v32 =	vor.u32 v33, v37;
	v33 =	vld.idx.msk [tilespmem:v26+s7+$0x0], $0xffff;
	v8 =	vor.u32 v24, v25  }
0x2ca: {  	v25 =	vld [tilespmem:s25+$0x10];
	v7 =	vor.u32 v7, v8  }
0x2cb: {  	v24 =	vld [tilespmem:s25+$0x20]  }
0x2cc: {  	v8 =	vld [tilespmem:s17+$0x30]  }
0x2cd: {  	v41 =	vld.idx.msk [tilespmem:v6+s30+$0x0], $0xffff  }
0x2ce: {  	v6 =	vld [tilespmem:s25+$0x30]  }
0x2cf: {  	v42 =	vld.idx.msk [tilespmem:v7+s30+$0x0], $0xffff  }
0x2d0: {  	v14 =	vand.u32 $0xFFFFFFF0, v14;
	v48 =	vld.idx.msk [tilespmem:v5+s7+$0x0], $0xffff  }
0x2d1: {  	v22 =	vand.u32 $0xFFFFFFF0, v22;
	v23 =	vand.u32 $0xFFFFFFF0, v23;
	v58 =	vshll.u32 v31, $0x2;
	v5 =	vld.idx.msk [tilespmem:v43+s7+$0x0], $0xffff  }
0x2d2: {  	s26 =	simm.s32 $0x1C8C0;
	v10 =	vand.u32 $0xFFFFFFF0, v29;
	v36 =	vand.u32 $0x3C, v58;
	v34 =	vshll.u32 v34, $0x6;
	v29 =	vld.idx.msk [tilespmem:v11+s7+$0x0], $0xffff  }
0x2d3: {  	[tilespmem:s26+$0x30] =	vst v15;
	v60 =	vor.u32 v39, v36;
	v15 =	vand.u32 $0xFFFFFFF0, v52;
	v35 =	vshll.u32 v35, $0x6;
	v37 =	vld.idx.msk [tilespmem:v25+s7+$0x0], $0xffff  }
0x2d4: {  	v34 =	vand.u32 $0x3C0, v34;
	v35 =	vand.u32 $0x3C0, v35;
	v33 =	vshll.u32 v33, $0x6;
	v36 =	vld.idx.msk [tilespmem:v24+s7+$0x0], $0xffff  }
0x2d5: {  	v46 =	vld.idx.msk [tilespmem:v47+s7+$0x0], $0xffff;
	[tilespmem:s26+$0xFFFFFFE0] =	vst v21;
	v21 =	vand.u32 $0xFFFFFFF0, v59;
	v11 =	vand.u32 $0xFFFFFFF0, v30;
	v7 =	vshll.u32 v48, $0x2  }
0x2d6: {  	v58 =	vld [tilespmem:s17+$0xFFFFFFD0];
	v14 =	vmul.f32 v14, v40;
	v5 =	vshll.u32 v5, $0x6;
	v9 =	vand.u32 $0x3C, v7  }
0x2d7: {  	p1 =	slt.u32 s16, s24;
	s19 =	simm.f32 $1.000000000e+00;
	v54 =	vld.idx.msk [tilespmem:v28+s30+$0x0], $0xffff;
	v22 =	vmul.f32 v22, v41;
	v50 =	vand.u32 $0x3C0, v5;
	v9 =	vor.u32 v8, v9  }
0x2d8: {  	s19 =	simm.s32 @!p1 $0x0;
	[tilespmem:s26+$0xFFFFFFC0] =	vst v17;
	v23 =	vmul.f32 v23, v42;
	v17 =	vand.u32 $0xFFFFFFF0, v29;
	v39 =	vld.idx.msk [tilespmem:v6+s7+$0x0], $0xffff;
	v50 =	vor.u32 v50, v9  }
0x2d9: {  	v37 =	vshll.u32 v37, $0x6;
	v36 =	vshll.u32 v36, $0x6;
	v7 =	vld [tilespmem:s25+$0x40];
	v5 =	vmov s19  }
0x2da: {  	v48 =	vand.u32 $0xFFFFFFF0, v48;
	v8 =	vld [tilespmem:s25+$0x50];
	v53 =	vmul.f32 v12, v5;
	v61 =	vmul.f32 v14, v5  }
0x2db: {  	v12 =	vshll.u32 v30, $0x2;
	v62 =	vmul.f32 v22, v5;
	v23 =	vmul.f32 v23, v5;
	v9 =	vld [tilespmem:s25+$0x60]  }
0x2dc: {  	s18 =	simm.s32 $0x1D8C0;
	[tilespmem:s26+$0xFFFFFFD0] =	vst v13;
	v22 =	vshll.u32 v49, $0x2;
	v30 =	vand.u32 $0x3C, v12;
	v12 =	vand.u32 $0xFFFFFFF0, v31;
	v31 =	vld.idx.msk [tilespmem:v44+s7+$0x0], $0xffff  }
0x2dd: {  	v63 =	vand.u32 $0x3C, v22;
	v22 =	vshll.u32 v52, $0x2;
	v30 =	vor.u32 v38, v30;
	[tilespmem:s18+$0xFFFFFFC0] =	vst v61;
	v50 =	vld.idx.msk [tilespmem:v50+s30+$0x0], $0xffff  }
0x2de: {  	v52 =	vld [tilespmem:s17+$0x0];
	v47 =	vand.u32 $0x3C, v22;
	v22 =	vshll.u32 v29, $0x2;
	[tilespmem:s18+$0xFFFFFFE0] =	vst v23;
	v23 =	vand.u32 $0x3C0, v33  }
0x2df: {  	[tilespmem:s18+$0xFFFFFFD0] =	vst v62;
	v61 =	vand.u32 $0x3C0, v37;
	v62 =	vor.u32 v56, v63;
	v63 =	vld [tilespmem:s17+$0x10];
	v30 =	vor.u32 v34, v30  }
0x2e0: {  	v34 =	vor.u32 v35, v60;
	v57 =	vand.u32 $0x3C, v22;
	v22 =	vshll.u32 v59, $0x2;
	v59 =	vld [tilespmem:s17+$0xFFFFFFE0]  }
0x2e1: {  	v60 =	vshll.u32 v45, $0x2;
	v35 =	vand.u32 $0x3C, v22;
	v22 =	vand.u32 $0xFFFFFFF0, v45;
	v45 =	vld [tilespmem:s17+$0xFFFFFFF0]  }
0x2e2: {  	v37 =	vor.u32 v23, v62;
	v23 =	vor.u32 v58, v47;
	v40 =	vld.idx.msk [tilespmem:v7+s7+$0x0], $0xffff;
	v29 =	vmul.f32 v48, v50  }
0x2e3: {  	[tilespmem:s26+$0xFFFFFFF0] =	vst v20;
	v14 =	vand.u32 $0xFFFFFFF0, v49;
	v38 =	vand.u32 $0x3C, v60;
	v33 =	vor.u32 v61, v23;
	v42 =	vld.idx.msk [tilespmem:v8+s7+$0x0], $0xffff  }
0x2e4: {  	s22 =	simm.s32 $0x1C940;
	[tilespmem:s18+$0x30] =	vst v53;
	v55 =	vshll.u32 v31, $0x2;
	v13 =	vand.u32 $0xFFFFFFF0, v31;
	v49 =	vld.idx.msk [tilespmem:v9+s7+$0x0], $0xffff;
	v29 =	vmul.f32 v29, v5  }
0x2e5: {  	s19 =	simm.s32 $0x1D940;
	[tilespmem:s22+$0x30] =	vst v43;
	v35 =	vor.u32 v52, v35;
	v31 =	vand.u32 $0x3C, v55;
	v55 =	vshll.u32 v46, $0x2;
	v50 =	vld [tilespmem:s17+$0x20]  }
0x2e6: {  	v63 =	vor.u32 v63, v38;
	v53 =	vor.u32 v59, v57;
	[tilespmem:s19+$0x30] =	vst v29;
	v29 =	vand.u32 $0x3C0, v36  }
0x2e7: {  	v28 =	vld.idx.msk [tilespmem:v32+s30+$0x0], $0xffff;
	[tilespmem:s26+$0x0] =	vst v19;
	v57 =	vshll.u32 v39, $0x6;
	v58 =	vshll.u32 v40, $0x6;
	v20 =	vor.u32 v29, v53  }
0x2e8: {  	v56 =	vand.u32 $0x3C, v55;
	v19 =	vand.u32 $0x3C0, v57;
	v59 =	vand.u32 $0x3C0, v58;
	v29 =	vld.idx.msk [tilespmem:v30+s30+$0x0], $0xffff;
	[tilespmem:s26+$0x10] =	vst v18  }
0x2e9: {  	v60 =	vshll.u32 v42, $0x6;
	v62 =	vshll.u32 v49, $0x6;
	v30 =	vld.idx.msk [tilespmem:v34+s30+$0x0], $0xffff;
	v18 =	vor.u32 v45, v31;
	[tilespmem:s26+$0x20] =	vst v16  }
0x2ea: {  	v31 =	vld.idx.msk [tilespmem:v37+s30+$0x0], $0xffff;
	[tilespmem:s22+$0xFFFFFFC0] =	vst v26;
	v32 =	vor.u32 v50, v56;
	v18 =	vor.u32 v19, v18;
	v19 =	vand.u32 $0x3C0, v62  }
0x2eb: {  	v61 =	vand.u32 $0x3C0, v60;
	v16 =	vor.u32 v59, v35;
	v26 =	vld.idx.msk [tilespmem:v33+s30+$0x0], $0xffff;
	[tilespmem:s22+$0xFFFFFFD0] =	vst v25;
	v19 =	vor.u32 v19, v32  }
0x2ec: {  	s23 =	simm.s32 $0x1C940;
	s25 =	simm.s32 $0x8;
	v23 =	vand.u32 $0xFFFFFFF0, v46;
	s26 =	simm.s32 $0x1A700;
	v25 =	vld.idx.msk [tilespmem:v20+s30+$0x0], $0xffff;
	v20 =	vor.u32 v61, v63;
	[tilespmem:s22+$0xFFFFFFE0] =	vst v24;
	v24 =	vmul.f32 v27, v54  }
.LBB2_17:
0x2ed: {  	v27 =	vld [tilespmem:s26+$0xFFFFFFF0];
	s25 =	sadd.s32 $0x8, s25;
	v28 =	vmul.f32 v10, v28;
	v10 =	vmov v21  }
0x2ee: {  	v32 =	vld [tilespmem:s26+$0x70];
	p1 =	slt.u32 s25, $0x38;
	v21 =	vmul.f32 v24, v5;
	v24 =	vmul.f32 v11, v29;
	v11 =	vmov v22  }
0x2ef: {  	v29 =	vmul.f32 v12, v30;
	v12 =	vmov v23;
	v22 =	vld [tilespmem:s26+$0xFFFFFF90];
	v28 =	vmul.f32 v28, v5  }
0x2f0: {  	v14 =	vmul.f32 v14, v31;
	v23 =	vld [tilespmem:s26+$0xFFFFFFA0];
	[tilespmem:s18+$0xFFFFFFF0] =	vst v21;
	v21 =	vmul.f32 v24, v5  }
0x2f1: {  	v15 =	vmul.f32 v15, v26;
	v24 =	vmul.f32 v29, v5;
	v30 =	vld [tilespmem:s26+$0xFFFFFFB0];
	[tilespmem:s18+$0x0] =	vst v28  }
0x2f2: {  	v14 =	vmul.f32 v14, v5;
	v17 =	vmul.f32 v17, v25;
	v28 =	vld [tilespmem:s26+$0xFFFFFFC0];
	[tilespmem:s18+$0x10] =	vst v21  }
0x2f3: {  	v15 =	vmul.f32 v15, v5;
	v21 =	vld [tilespmem:s26+$0xFFFFFFD0];
	[tilespmem:s18+$0x20] =	vst v24;
	s18 =	smov.u32 s19  }
0x2f4: {  	v29 =	vld [tilespmem:s26+$0xFFFFFFE0];
	[tilespmem:s19+$0xFFFFFFC0] =	vst v14;
	v14 =	vmul.f32 v17, v5  }
0x2f5: {  	v17 =	vld.idx.msk [tilespmem:v27+s7+$0x0], $0xffff;
	[tilespmem:s19+$0xFFFFFFD0] =	vst v15  }
0x2f6: {  	v15 =	vld.idx.msk [tilespmem:v32+s7+$0x0], $0xffff;
	[tilespmem:s19+$0xFFFFFFE0] =	vst v14  }
0x2f7: {  	s17 =	sadd.s32 $0x80, s17;
	v14 =	vld [tilespmem:s26+$0xFFFFFF80]  }
0x2f8: {  	v27 =	vld [tilespmem:s17+$0x30]  }
0x2f9: {  	v26 =	vld [tilespmem:s26+$0x0]  }
0x2fa: {  	v25 =	vld [tilespmem:s26+$0x10]  }
0x2fb: {  	v31 =	vshll.u32 v17, $0x2;
	v24 =	vld [tilespmem:s26+$0x20]  }
0x2fc: {  	v15 =	vshll.u32 v15, $0x6;
	v31 =	vand.u32 $0x3C, v31;
	v33 =	vld [tilespmem:s26+$0x30]  }
0x2fd: {  	v15 =	vand.u32 $0x3C0, v15;
	v34 =	vld [tilespmem:s26+$0x40];
	v27 =	vor.u32 v27, v31  }
0x2fe: {  	v31 =	vld [tilespmem:s26+$0x50];
	v15 =	vor.u32 v15, v27  }
0x2ff: {  	v27 =	vld [tilespmem:s26+$0x60]  }
0x300: {  	v35 =	vld.idx.msk [tilespmem:v14+s7+$0x0], $0xffff  }
0x301: {  	v22 =	vld.idx.msk [tilespmem:v22+s7+$0x0], $0xffff  }
0x302: {  	v23 =	vld.idx.msk [tilespmem:v23+s7+$0x0], $0xffff  }
0x303: {  	v36 =	vld.idx.msk [tilespmem:v15+s30+$0x0], $0xffff  }
0x304: {  	v30 =	vld.idx.msk [tilespmem:v30+s7+$0x0], $0xffff  }
0x305: {  	v28 =	vld.idx.msk [tilespmem:v28+s7+$0x0], $0xffff  }
0x306: {  	v14 =	vand.u32 $0xFFFFFFF0, v35;
	v15 =	vshll.u32 v35, $0x2;
	v35 =	vld.idx.msk [tilespmem:v21+s7+$0x0], $0xffff  }
0x307: {  	v37 =	vand.u32 $0x3C, v15;
	v15 =	vand.u32 $0xFFFFFFF0, v22;
	v21 =	vshll.u32 v22, $0x2;
	v29 =	vld.idx.msk [tilespmem:v29+s7+$0x0], $0xffff  }
0x308: {  	v22 =	vand.u32 $0xFFFFFFF0, v17;
	v39 =	vand.u32 $0x3C, v21;
	v21 =	vshll.u32 v23, $0x2;
	v38 =	vld.idx.msk [tilespmem:v26+s7+$0x0], $0xffff  }
0x309: {  	v17 =	vand.u32 $0xFFFFFFF0, v23;
	v41 =	vand.u32 $0x3C, v21;
	v21 =	vmul.f32 v22, v36;
	v40 =	vld.idx.msk [tilespmem:v25+s7+$0x0], $0xffff  }
0x30a: {  	v42 =	vand.u32 $0xFFFFFFF0, v30;
	v22 =	vshll.u32 v30, $0x2;
	v36 =	vld.idx.msk [tilespmem:v24+s7+$0x0], $0xffff  }
0x30b: {  	s22 =	sadd.s32 $0x80, s22;
	v43 =	vand.u32 $0x3C, v22;
	v22 =	vshll.u32 v28, $0x2;
	v23 =	vmul.f32 v21, v5;
	v30 =	vld.idx.msk [tilespmem:v33+s7+$0x0], $0xffff  }
0x30c: {  	s19 =	sadd.s32 $0x80, s19;
	v21 =	vand.u32 $0xFFFFFFF0, v28;
	v45 =	vand.u32 $0x3C, v22;
	v28 =	vshll.u32 v35, $0x2;
	v44 =	vld.idx.msk [tilespmem:v34+s7+$0x0], $0xffff;
	[tilespmem:s22+$0x30] =	vst v32  }
0x30d: {  	v22 =	vand.u32 $0xFFFFFFF0, v35;
	v35 =	vand.u32 $0x3C, v28;
	v28 =	vshll.u32 v29, $0x2;
	v32 =	vld.idx.msk [tilespmem:v31+s7+$0x0], $0xffff;
	[tilespmem:s19+$0x30] =	vst v23  }
0x30e: {  	v38 =	vshll.u32 v38, $0x6;
	v23 =	vand.u32 $0xFFFFFFF0, v29;
	v47 =	vand.u32 $0x3C, v28;
	v46 =	vld.idx.msk [tilespmem:v27+s7+$0x0], $0xffff  }
0x30f: {  	v29 =	vand.u32 $0x3C0, v38;
	v38 =	vshll.u32 v40, $0x6;
	v28 =	vld [tilespmem:s17+$0xFFFFFFC0]  }
0x310: {  	v38 =	vand.u32 $0x3C0, v38;
	v36 =	vshll.u32 v36, $0x6;
	v40 =	vld [tilespmem:s17+$0xFFFFFFD0]  }
0x311: {  	v36 =	vand.u32 $0x3C0, v36;
	v30 =	vshll.u32 v30, $0x6;
	v48 =	vld [tilespmem:s17+$0xFFFFFFE0]  }
0x312: {  	v30 =	vand.u32 $0x3C0, v30;
	v44 =	vshll.u32 v44, $0x6;
	v49 =	vld [tilespmem:s17+$0xFFFFFFF0]  }
0x313: {  	v44 =	vand.u32 $0x3C0, v44;
	v32 =	vshll.u32 v32, $0x6;
	v50 =	vld [tilespmem:s17+$0x0]  }
0x314: {  	v32 =	vand.u32 $0x3C0, v32;
	v46 =	vshll.u32 v46, $0x6;
	v28 =	vor.u32 v28, v37;
	v37 =	vld [tilespmem:s17+$0x10]  }
0x315: {  	v51 =	vor.u32 v29, v28;
	v28 =	vor.u32 v40, v39;
	v39 =	vld [tilespmem:s17+$0x20];
	v40 =	vand.u32 $0x3C0, v46  }
0x316: {  	v38 =	vor.u32 v38, v28;
	v28 =	vor.u32 v48, v41;
	v41 =	vld.idx.msk [tilespmem:v18+s30+$0x0], $0xffff;
	[tilespmem:s23+$0xFFFFFFF0] =	vst v6;
	v6 =	vmov v33  }
0x317: {  	v33 =	vor.u32 v36, v28;
	v18 =	vor.u32 v49, v43;
	v28 =	vld.idx.msk [tilespmem:v16+s30+$0x0], $0xffff;
	[tilespmem:s23+$0x0] =	vst v7;
	v7 =	vmov v34  }
.Ltmp9:
0x318: {  	v18 =	vor.u32 v30, v18;
	v16 =	vor.u32 v50, v45;
	v29 =	vld.idx.msk [tilespmem:v20+s30+$0x0], $0xffff;
	[tilespmem:s23+$0x10] =	vst v8;
	v8 =	vmov v31;
	(pc) =	sbr.rel @p1 .LBB2_17-.Ltmp9, $4  }
0x319: {  	v16 =	vor.u32 v44, v16;
	v20 =	vor.u32 v37, v35;
	v30 =	vld.idx.msk [tilespmem:v19+s30+$0x0], $0xffff;
	[tilespmem:s23+$0x20] =	vst v9;
	v9 =	vmov v27;
	s23 =	smov.u32 s22  }
0x31a: {  	v31 =	vld.idx.msk [tilespmem:v51+s30+$0x0], $0xffff;
	[tilespmem:s22+$0xFFFFFFC0] =	vst v26;
	v20 =	vor.u32 v32, v20;
	v19 =	vor.u32 v39, v47  }
0x31b: {  	v26 =	vld.idx.msk [tilespmem:v38+s30+$0x0], $0xffff;
	[tilespmem:s22+$0xFFFFFFD0] =	vst v25;
	v19 =	vor.u32 v40, v19  }
0x31c: {  	s26 =	sadd.s32 $0x100, s26;
	v25 =	vld.idx.msk [tilespmem:v33+s30+$0x0], $0xffff;
	[tilespmem:s22+$0xFFFFFFE0] =	vst v24;
	v24 =	vmul.f32 v13, v41;
	v13 =	vmov v42  }
0x31d: {  	_ =	sdelay $0x3  }
0x31e: {  	v57 =	vld.idx.msk [tilespmem:v18+s30+$0x0], $0xffff;
	[tilespmem:s23+$0xFFFFFFF0] =	vst v6  }
0x31f: {  	v10 =	vmul.f32 v10, v28;
	v58 =	vld.idx.msk [tilespmem:v16+s30+$0x0], $0xffff;
	[tilespmem:s23+$0x0] =	vst v7  }
0x320: {  	v11 =	vmul.f32 v11, v29;
	v60 =	vld.idx.msk [tilespmem:v20+s30+$0x0], $0xffff;
	[tilespmem:s23+$0x10] =	vst v8;
	v24 =	vmul.f32 v24, v5  }
0x321: {  	v61 =	vld.idx.msk [tilespmem:v19+s30+$0x0], $0xffff;
	[tilespmem:s23+$0x20] =	vst v9;
	v12 =	vmul.f32 v12, v30;
	v10 =	vmul.f32 v10, v5  }
0x322: {  	v14 =	vmul.f32 v14, v31;
	v11 =	vmul.f32 v11, v5;
	[tilespmem:s18+$0xFFFFFFF0] =	vst v24  }
0x323: {  	v15 =	vmul.f32 v15, v26;
	v54 =	vmul.f32 v12, v5;
	[tilespmem:s18+$0x0] =	vst v10  }
0x324: {  	v55 =	vmul.f32 v14, v5;
	v56 =	vmul.f32 v17, v25;
	[tilespmem:s18+$0x10] =	vst v11  }
0x325: {  	v15 =	vmul.f32 v15, v5;
	[tilespmem:s18+$0x20] =	vst v54;
	v6 =	vmul.f32 v13, v57  }
0x326: {  	v7 =	vmul.f32 v21, v58;
	[tilespmem:s19+$0xFFFFFFC0] =	vst v55;
	v59 =	vmul.f32 v56, v5  }
0x327: {  	v62 =	vmul.f32 v22, v60;
	[tilespmem:s19+$0xFFFFFFD0] =	vst v15;
	v6 =	vmul.f32 v6, v5  }
.Ltmp10:
0x328: {  	v63 =	vmul.f32 v23, v61;
	v7 =	vmul.f32 v7, v5;
	[tilespmem:s19+$0xFFFFFFE0] =	vst v59;
	(pc) =	sbr.rel @p0 .LBB2_20-.Ltmp10, $4  }
0x329: {  	[tilespmem:s19+$0xFFFFFFF0] =	vst v6;
	v6 =	vmul.f32 v62, v5  }
0x32a: {  	[tilespmem:s19+$0x0] =	vst v7;
	v5 =	vmul.f32 v63, v5  }
0x32b: {  	[tilespmem:s19+$0x10] =	vst v6  }
0x32c: {  	[tilespmem:s19+$0x20] =	vst v5  }
0x32d: {  	s16 =	sadd.s32 $0x7, s16  }
0x32e: {  	s16 =	smin.u32 s16, s11  }
0x32f: {  	s16 =	sadd.s32 s9, s16  }
.Ltmp11:
0x330: {  	s17 =	sshll.u32 s16, $0x8;
	(pc) =	sbr.rel .LBB2_10-.Ltmp11, $4  }
0x331: {  	s16 =	sshll.u32 s16, $0x7;
	s17 =	sadd.s32 s2, s17  }
0x332: {  	[tilespmem:s4], [sflag:$0x4] =	stream.linear.gather [hbm4b:s17+s7], $0x800, $0x38;
	[tilespmem:$0x1FB80] =	vst v63  }
0x333: {  	s15 =	sadd.s32 $0x1, s15;
	s16 =	sadd.s32 s3, s16  }
0x334: {  	[tilespmem:s6], [sflag:$0x4] =	stream.linear.gather [hbm4b:s16+s7], $0x400, $0x38;
	[tilespmem:$0x1FB80] =	vst v63  }
.LBB2_21:
0x335: {  	_ =	sfence.sel $0x180000  }
0x336: {  	[bflag:$0x0] =	sbarrier.arrive $0xFFFF  }
0x337: {  	_ =	strace $0x90000047  }
0x338: {  	s0 =	stileid.u32;
	[bflag:$0x2] =	sbarrier.arrive $0xFFFF  }
0x339: {  	p0 =	sne.s32 s0, $0x0;
	s0 =	rddreg [dreg:$0x6]  }
0x33a: {  	s0 =	sadd.s32 @!p0 $0x100000, s0  }
0x33b: {  	[sflag:s0] =	ssyncadd.tile.s32 @!p0 $0x1;
	_ =	shalt  }
.Lfunc_end2:
_tile_overlayer_lowered:
.L_overlay_start_2:
0x33c: {  	(tag) =	ssettag $0x2  }
0x33d: {  	s0 =	rddreg [dreg:$0x0];
	s2 =	stileid.u32  }
0x33e: {  	s1 =	rddreg [dreg:$0x1];
	p0 =	sne.s32 s2, $0x0  }
0x33f: {  	s3 =	rddreg [dreg:$0x2];
	[bflag:$0x3] =	sbarrier.arrive $0xFFFF;
	s2 =	simm.s32 @!p0 $0x1C05  }
0x340: {  	[timem:s3], [sflag:s2] =	dma.local @!p0 [hbm:s0], s1  }
0x341: {  	s0 =	simm.s32 @!p0 $0x5  }
0x342: {  	_ =	swait.ge @!p0 [sflag:s0], s1  }
0x343: {  	s1 =	ssub.s32 @!p0 $0x0, s1;
	[sflag:s0] =	ssyncset.done @!p0 $0x0  }
0x344: {  	[sflag:s0] =	ssyncadd.s32 @!p0 s1  }
0x345: {  	[bflag:$0x3] =	sbarrier.arrive $0xFFFF  }
0x346: {  	_ =	shalt  }

</sc_bundles>
